<compile_context>
chip_gen: v7x
topology: tpu7x:2x2x1
jax: 0.10.2.dev20260603
libtpu: 0.0.44.dev20260713+nightly
codegen_flags: <defaults>
</compile_context>

<pallas_src>
import functools
import jax
import jax.numpy as jnp
from jax import lax
from jax.experimental import pallas as pl
from jax.experimental.pallas import tpu as pltpu
from jax.experimental.pallas import tpu_sc as plsc

_MAX_EXP = 15
_NPOS = 16
_NVAL = 16
_CDIM = _NPOS * _NVAL


def _sc_build_m(boards, row0, Bsc):
    info = plsc.get_sparse_core_info()
    nw = info.num_cores * info.num_subcores
    b_per_w = Bsc // nw
    mesh = plsc.VectorSubcoreMesh(core_axis_name="c", subcore_axis_name="s")

    @functools.partial(
        pl.kernel,
        mesh=mesh,
        out_type=jax.ShapeDtypeStruct((Bsc, _CDIM), jnp.float32),
        scratch_types=[
            pltpu.VMEM((b_per_w, _NPOS), jnp.int32),
            pltpu.VMEM((b_per_w, _CDIM), jnp.float32),
        ],
        compiler_params=pltpu.CompilerParams(needs_layout_passes=False,
                                             use_tc_tiling_on_sc=True),
    )
    def sc_kernel(boards_hbm, m_hbm, boards_v, mbuf):
        wid = lax.axis_index("s") * info.num_cores + lax.axis_index("c")
        base = wid * b_per_w
        pltpu.sync_copy(boards_hbm.at[pl.ds(row0 + base, b_per_w)], boards_v)
        colbase = lax.iota(jnp.int32, 16) * _NVAL
        zeros16 = jnp.zeros((16,), jnp.float32)
        ones16 = jnp.ones((16,), jnp.float32)

        def zero_body(r, _):
            for k in range(_CDIM // 16):
                mbuf[r, pl.ds(k * 16, 16)] = zeros16
            return 0
        lax.fori_loop(0, b_per_w, zero_body, 0)

        def scatter_body(i, _):
            e = boards_v[i, :]
            col = jnp.clip(e, 0, _MAX_EXP) + colbase
            row = jnp.full((16,), i, jnp.int32)
            plsc.store_scatter(mbuf, [row, col], ones16)
            return 0
        lax.fori_loop(0, b_per_w, scatter_body, 0)

        pltpu.sync_copy(mbuf, m_hbm.at[pl.ds(base, b_per_w)])

    return sc_kernel(boards)


def _build_T(table_ref, W1_ref, T_ref):
    tab = table_ref[:]
    for p in range(_NPOS):
        T_ref[pl.ds(p * _NVAL, _NVAL), :] = jnp.dot(
            tab, W1_ref[pl.ds(p * 32, 32), :],
            preferred_element_type=jnp.float32)


def _tail_mlp(h1pre, b1_ref, W2_ref, b2_ref, W3_ref, b3_ref, out_ref):
    h1 = jnp.maximum(h1pre + b1_ref[:], 0.0)
    h2 = jnp.maximum(
        jnp.dot(h1, W2_ref[:], preferred_element_type=jnp.float32)
        + b2_ref[:], 0.0)
    out_ref[:] = (jnp.dot(h2, W3_ref[:], preferred_element_type=jnp.float32)
                  + b3_ref[:])


def _lookup_mlp_kernel(boards_ref, table_ref, W1_ref, b1_ref, W2_ref, b2_ref,
                       W3_ref, b3_ref, out_ref, T_ref):
    tile = boards_ref.shape[0]

    @pl.when(pl.program_id(0) == 0)
    def _():
        _build_T(table_ref, W1_ref, T_ref)

    enc = jnp.clip(boards_ref[:], 0, _MAX_EXP)

    colid = lax.broadcasted_iota(jnp.int32, (tile, _CDIM), 1)
    sel = (lax.broadcasted_iota(jnp.int32, (_NPOS, _CDIM), 0)
           == lax.broadcasted_iota(jnp.int32, (_NPOS, _CDIM), 1) // _NVAL)
    rep = jnp.dot(enc.astype(jnp.float32), sel.astype(jnp.float32),
                  preferred_element_type=jnp.float32)
    M = jnp.where(rep == (colid % _NVAL).astype(jnp.float32), 1.0, 0.0)
    h1pre = jnp.dot(M, T_ref[:], preferred_element_type=jnp.float32)
    _tail_mlp(h1pre, b1_ref, W2_ref, b2_ref, W3_ref, b3_ref, out_ref)


def _mlp_sc_rows_kernel(m_ref, table_ref, W1_ref, b1_ref, W2_ref, b2_ref,
                       W3_ref, b3_ref, prev_ref, out_ref, T_ref):
    del prev_ref

    @pl.when(pl.program_id(0) == 0)
    def _():
        _build_T(table_ref, W1_ref, T_ref)

    h1pre = jnp.dot(m_ref[:], T_ref[:], preferred_element_type=jnp.float32)
    _tail_mlp(h1pre, b1_ref, W2_ref, b2_ref, W3_ref, b3_ref, out_ref)


_W_SPECS = [
    pl.BlockSpec((_NVAL, 32), lambda i: (0, 0)),
    pl.BlockSpec((512, 256), lambda i: (0, 0)),
    pl.BlockSpec((1, 256), lambda i: (0, 0)),
    pl.BlockSpec((256, 256), lambda i: (0, 0)),
    pl.BlockSpec((1, 256), lambda i: (0, 0)),
    pl.BlockSpec((256, 4), lambda i: (0, 0)),
    pl.BlockSpec((1, 4), lambda i: (0, 0)),
]


def _tc_full(boards, B_tc, table, W1, b1, W2, b2, W3, b3, B_out, tile=2048):
    return pl.pallas_call(
        _lookup_mlp_kernel,
        grid=(B_tc // tile,),
        in_specs=[pl.BlockSpec((tile, _NPOS), lambda i: (i, 0))] + _W_SPECS,
        out_specs=pl.BlockSpec((tile, 4), lambda i: (i, 0)),
        out_shape=jax.ShapeDtypeStruct((B_out, 4), jnp.float32),
        scratch_shapes=[pltpu.VMEM((_CDIM, 256), jnp.float32)],
        compiler_params=pltpu.CompilerParams(
            dimension_semantics=("arbitrary",)),
    )(boards, table, W1, b1.reshape(1, 256), W2, b2.reshape(1, 256), W3,
      b3.reshape(1, 4))


def _tc_mlp_sc_rows(M, table, W1, b1, W2, b2, W3, b3, prev_out, row0,
                   tile=2048):
    B = M.shape[0]
    off = row0 // tile
    return pl.pallas_call(
        _mlp_sc_rows_kernel,
        grid=(B // tile,),
        in_specs=[pl.BlockSpec((tile, _CDIM), lambda i: (i, 0))] + _W_SPECS
        + [pl.BlockSpec(memory_space=pltpu.MemorySpace.HBM)],
        out_specs=pl.BlockSpec((tile, 4), lambda i: (i + off, 0)),
        out_shape=jax.ShapeDtypeStruct(prev_out.shape, jnp.float32),
        scratch_shapes=[pltpu.VMEM((_CDIM, 256), jnp.float32)],
        input_output_aliases={8: 0},
        compiler_params=pltpu.CompilerParams(
            dimension_semantics=("arbitrary",)),
    )(M, table, W1, b1.reshape(1, 256), W2, b2.reshape(1, 256), W3,
      b3.reshape(1, 4), prev_out)


@jax.jit
def _run(boards, table, W1, b1, W2, b2, W3, b3):
    B = boards.shape[0]
    B_sc = 3 * B // 8
    B_tc = B - B_sc
    M_sc = _sc_build_m(lax.slice_in_dim(boards, B_tc, B), 0, B_sc)
    out_tc = _tc_full(lax.slice_in_dim(boards, 0, B_tc), B_tc, table, W1,
                      b1, W2, b2, W3, b3, B_out=B)
    return _tc_mlp_sc_rows(M_sc, table, W1, b1, W2, b2, W3, b3, out_tc, B_tc)


def kernel(boards, table, W1, b1, W2, b2, W3, b3):
    return _run(boards, table, W1, b1, W2, b2, W3, b3)

# --- scband reference (transcript-rebuilt; emitter-appended) ---
"""Pipeline reference for scband-qnetwork-678604833237 (READ-ONLY COPY).

The authoritative reference and input builder live on the scoring server;
editing this copy changes nothing except your own understanding.
"""

import jax, jax.numpy as jnp
import numpy as np

MAX_EXP = 15
EMB_DIM = 32
HID = 256
ACT = 4
BATCH = 16384


def setup_inputs(seed: int = 0) -> dict:
    key = jax.random.key(seed)
    ks = jax.random.split(key, 8)
    boards = jax.random.randint(ks[0], (BATCH, 16), 0, 16, dtype=jnp.int64 if jax.config.jax_enable_x64 else jnp.int32).astype(jnp.int32)
    table = jax.random.normal(ks[1], (MAX_EXP + 1, EMB_DIM), dtype=jnp.float32)
    in_dim = 16 * EMB_DIM
    W1 = jax.random.normal(ks[2], (in_dim, HID), dtype=jnp.float32) * (1.0 / np.sqrt(in_dim))
    b1 = jnp.zeros((HID,), dtype=jnp.float32)
    W2 = jax.random.normal(ks[3], (HID, HID), dtype=jnp.float32) * (1.0 / np.sqrt(HID))
    b2 = jnp.zeros((HID,), dtype=jnp.float32)
    W3 = jax.random.normal(ks[4], (HID, ACT), dtype=jnp.float32) * (1.0 / np.sqrt(HID))
    b3 = jnp.zeros((ACT,), dtype=jnp.float32)
    return {"boards": boards, "table": table, "W1": W1, "b1": b1, "W2": W2, "b2": b2, "W3": W3, "b3": b3}


def reference(boards, table, W1, b1, W2, b2, W3, b3):
    encoded = jnp.clip(boards.astype(jnp.int32), 0, MAX_EXP)
    embedded = jnp.take(table, encoded, axis=0)  # [B, 16, EMB_DIM]
    flat = embedded.reshape(embedded.shape[0], -1)  # [B, 16*EMB_DIM]
    h = jax.nn.relu(flat @ W1 + b1)
    h = jax.nn.relu(h @ W2 + b2)
    out = h @ W3 + b3
    return out

if __name__ == "__main__":
    import jax
    _d = setup_inputs()
    print(jax.jit(kernel)(*tuple(_d.values())))

</pallas_src>

<mosaic_0001>
#map = affine_map<(d0, d1) -> (0, 0)>
module attributes {stable_mosaic.version = 14 : i64} {
  func.func @sc_kernel(%arg0: i32, %arg1: i32, %arg2: memref<6144x16xi32, #tpu.memory_space<hbm>>, %arg3: memref<6144x256xf32, #tpu.memory_space<hbm>>, %arg4: memref<192x16xi32, #tpu.memory_space<vmem>>, %arg5: memref<192x256xf32, #tpu.memory_space<vmem>>) attributes {dimension_semantics = [#tpu.dimension_semantics<core_parallel>, #tpu.dimension_semantics<subcore_parallel>], iteration_bounds = array<i64: 2, 16>, scalar_prefetch = 0 : i64, scratch_operands = 2 : i64, tpu.core_type = #tpu.core_type<sc_vector_subcore>, window_params = [{transform_indices = #map}, {transform_indices = #map}]} {
    %mul3A = arith.constant 2 : i32
    %mul3A_0 = arith.muli %arg1, %mul3A : i32
    %add3A = arith.addi %mul3A_0, %arg0 : i32
    %mul3A_1 = arith.constant 192 : i32
    %mul3A_2 = arith.muli %add3A, %mul3A_1 : i32
    %add3A_3 = arith.constant 0 : i32
    %add3A_4 = arith.addi %add3A_3, %mul3A_2 : i32
    "tpu.region"() ({
      %run_scoped3A = tpu.sem_alloc : memref<!tpu.dma_semaphore, #tpu.memory_space<semaphore_mem>>
      %dma_start3A = arith.constant 0 : i32
      %dma_start3A_24 = tpu.memref_slice %arg2[%add3A_4, %dma_start3A] : memref<6144x16xi32, #tpu.memory_space<hbm>> -> memref<192x16xi32, #tpu.memory_space<hbm>>
      %dma_start3A_25 = arith.constant 0 : i32
      %dma_start3A_26 = tpu.memref_slice %arg2[%add3A_4, %dma_start3A_25] : memref<6144x16xi32, #tpu.memory_space<hbm>> -> memref<192x16xi32, #tpu.memory_space<hbm>>
      tpu.enqueue_dma source(%dma_start3A_26 : memref<192x16xi32, #tpu.memory_space<hbm>>) target(%arg4 : memref<192x16xi32, #tpu.memory_space<vmem>>) target_semaphore(%run_scoped3A : memref<!tpu.dma_semaphore, #tpu.memory_space<semaphore_mem>>)
      %dma_wait3A = arith.constant 0 : i32
      %dma_wait3A_27 = tpu.memref_slice %arg2[%add3A_4, %dma_wait3A] : memref<6144x16xi32, #tpu.memory_space<hbm>> -> memref<192x16xi32, #tpu.memory_space<hbm>>
      %dma_wait3A_28 = arith.constant 0 : i32
      %dma_wait3A_29 = tpu.memref_slice %arg2[%add3A_4, %dma_wait3A_28] : memref<6144x16xi32, #tpu.memory_space<hbm>> -> memref<192x16xi32, #tpu.memory_space<hbm>>
      tpu.wait_dma2 semaphore(%run_scoped3A : memref<!tpu.dma_semaphore, #tpu.memory_space<semaphore_mem>>) src(%dma_wait3A_29 : memref<192x16xi32, #tpu.memory_space<hbm>>) dst(%arg4 : memref<192x16xi32, #tpu.memory_space<vmem>>)
      tpu.yield
    }) : () -> ()
    %iota3A = tpu.iota {dimensions = array<i32: 0>} : vector<16xi32>
    %mul3A_5 = arith.constant 16 : i32
    %mul3A_6 = vector.broadcast %mul3A_5 : i32 to vector<16xi32>
    %mul3A_7 = arith.muli %iota3A, %mul3A_6 : vector<16xi32>
    %broadcast_in_dim3A = arith.constant 0.000000e+00 : f32
    %broadcast_in_dim3A_8 = vector.broadcast %broadcast_in_dim3A : f32 to vector<16xf32>
    %broadcast_in_dim3A_9 = arith.constant 1.000000e+00 : f32
    %broadcast_in_dim3A_10 = vector.broadcast %broadcast_in_dim3A_9 : f32 to vector<16xf32>
    %scan3A = arith.constant 0 : i32
    %scan3A_11 = arith.constant 0 : i32
    %scan3A_12 = arith.constant 192 : i32
    %scan3A_13 = arith.addi %scan3A_11, %scan3A_12 : i32
    %scan3A_14 = arith.constant 1 : i32
    %scan3A_15 = scf.for %scan3A_24 = %scan3A_11 to %scan3A_13 step %scan3A_14 iter_args(%scan3A_25 = %scan3A) -> (i32)  : i32 {
      %swap3A = arith.index_cast %scan3A_24 : i32 to index
      %swap3A_26 = arith.constant 0 : index
      %swap3A_27 = tpu.vector_load %arg5[%swap3A, %swap3A_26] {strides = array<i32>} : memref<192x256xf32, #tpu.memory_space<vmem>>, vector<16xf32>,
      tpu.vector_store %arg5[%swap3A, %swap3A_26], %broadcast_in_dim3A_8 {strides = array<i32>} : memref<192x256xf32, #tpu.memory_space<vmem>>, vector<16xf32>,
      %swap3A_28 = arith.index_cast %scan3A_24 : i32 to index
      %swap3A_29 = arith.constant 16 : index
      %swap3A_30 = tpu.vector_load %arg5[%swap3A_28, %swap3A_29] {strides = array<i32>} : memref<192x256xf32, #tpu.memory_space<vmem>>, vector<16xf32>,
      tpu.vector_store %arg5[%swap3A_28, %swap3A_29], %broadcast_in_dim3A_8 {strides = array<i32>} : memref<192x256xf32, #tpu.memory_space<vmem>>, vector<16xf32>,
      %swap3A_31 = arith.index_cast %scan3A_24 : i32 to index
      %swap3A_32 = arith.constant 32 : index
      %swap3A_33 = tpu.vector_load %arg5[%swap3A_31, %swap3A_32] {strides = array<i32>} : memref<192x256xf32, #tpu.memory_space<vmem>>, vector<16xf32>,
      tpu.vector_store %arg5[%swap3A_31, %swap3A_32], %broadcast_in_dim3A_8 {strides = array<i32>} : memref<192x256xf32, #tpu.memory_space<vmem>>, vector<16xf32>,
      %swap3A_34 = arith.index_cast %scan3A_24 : i32 to index
      %swap3A_35 = arith.constant 48 : index
      %swap3A_36 = tpu.vector_load %arg5[%swap3A_34, %swap3A_35] {strides = array<i32>} : memref<192x256xf32, #tpu.memory_space<vmem>>, vector<16xf32>,
      tpu.vector_store %arg5[%swap3A_34, %swap3A_35], %broadcast_in_dim3A_8 {strides = array<i32>} : memref<192x256xf32, #tpu.memory_space<vmem>>, vector<16xf32>,
      %swap3A_37 = arith.index_cast %scan3A_24 : i32 to index
      %swap3A_38 = arith.constant 64 : index
      %swap3A_39 = tpu.vector_load %arg5[%swap3A_37, %swap3A_38] {strides = array<i32>} : memref<192x256xf32, #tpu.memory_space<vmem>>, vector<16xf32>,
      tpu.vector_store %arg5[%swap3A_37, %swap3A_38], %broadcast_in_dim3A_8 {strides = array<i32>} : memref<192x256xf32, #tpu.memory_space<vmem>>, vector<16xf32>,
      %swap3A_40 = arith.index_cast %scan3A_24 : i32 to index
      %swap3A_41 = arith.constant 80 : index
      %swap3A_42 = tpu.vector_load %arg5[%swap3A_40, %swap3A_41] {strides = array<i32>} : memref<192x256xf32, #tpu.memory_space<vmem>>, vector<16xf32>,
      tpu.vector_store %arg5[%swap3A_40, %swap3A_41], %broadcast_in_dim3A_8 {strides = array<i32>} : memref<192x256xf32, #tpu.memory_space<vmem>>, vector<16xf32>,
      %swap3A_43 = arith.index_cast %scan3A_24 : i32 to index
      %swap3A_44 = arith.constant 96 : index
      %swap3A_45 = tpu.vector_load %arg5[%swap3A_43, %swap3A_44] {strides = array<i32>} : memref<192x256xf32, #tpu.memory_space<vmem>>, vector<16xf32>,
      tpu.vector_store %arg5[%swap3A_43, %swap3A_44], %broadcast_in_dim3A_8 {strides = array<i32>} : memref<192x256xf32, #tpu.memory_space<vmem>>, vector<16xf32>,
      %swap3A_46 = arith.index_cast %scan3A_24 : i32 to index
      %swap3A_47 = arith.constant 112 : index
      %swap3A_48 = tpu.vector_load %arg5[%swap3A_46, %swap3A_47] {strides = array<i32>} : memref<192x256xf32, #tpu.memory_space<vmem>>, vector<16xf32>,
      tpu.vector_store %arg5[%swap3A_46, %swap3A_47], %broadcast_in_dim3A_8 {strides = array<i32>} : memref<192x256xf32, #tpu.memory_space<vmem>>, vector<16xf32>,
      %swap3A_49 = arith.index_cast %scan3A_24 : i32 to index
      %swap3A_50 = arith.constant 128 : index
      %swap3A_51 = tpu.vector_load %arg5[%swap3A_49, %swap3A_50] {strides = array<i32>} : memref<192x256xf32, #tpu.memory_space<vmem>>, vector<16xf32>,
      tpu.vector_store %arg5[%swap3A_49, %swap3A_50], %broadcast_in_dim3A_8 {strides = array<i32>} : memref<192x256xf32, #tpu.memory_space<vmem>>, vector<16xf32>,
      %swap3A_52 = arith.index_cast %scan3A_24 : i32 to index
      %swap3A_53 = arith.constant 144 : index
      %swap3A_54 = tpu.vector_load %arg5[%swap3A_52, %swap3A_53] {strides = array<i32>} : memref<192x256xf32, #tpu.memory_space<vmem>>, vector<16xf32>,
      tpu.vector_store %arg5[%swap3A_52, %swap3A_53], %broadcast_in_dim3A_8 {strides = array<i32>} : memref<192x256xf32, #tpu.memory_space<vmem>>, vector<16xf32>,
      %swap3A_55 = arith.index_cast %scan3A_24 : i32 to index
      %swap3A_56 = arith.constant 160 : index
      %swap3A_57 = tpu.vector_load %arg5[%swap3A_55, %swap3A_56] {strides = array<i32>} : memref<192x256xf32, #tpu.memory_space<vmem>>, vector<16xf32>,
      tpu.vector_store %arg5[%swap3A_55, %swap3A_56], %broadcast_in_dim3A_8 {strides = array<i32>} : memref<192x256xf32, #tpu.memory_space<vmem>>, vector<16xf32>,
      %swap3A_58 = arith.index_cast %scan3A_24 : i32 to index
      %swap3A_59 = arith.constant 176 : index
      %swap3A_60 = tpu.vector_load %arg5[%swap3A_58, %swap3A_59] {strides = array<i32>} : memref<192x256xf32, #tpu.memory_space<vmem>>, vector<16xf32>,
      tpu.vector_store %arg5[%swap3A_58, %swap3A_59], %broadcast_in_dim3A_8 {strides = array<i32>} : memref<192x256xf32, #tpu.memory_space<vmem>>, vector<16xf32>,
      %swap3A_61 = arith.index_cast %scan3A_24 : i32 to index
      %swap3A_62 = arith.constant 192 : index
      %swap3A_63 = tpu.vector_load %arg5[%swap3A_61, %swap3A_62] {strides = array<i32>} : memref<192x256xf32, #tpu.memory_space<vmem>>, vector<16xf32>,
      tpu.vector_store %arg5[%swap3A_61, %swap3A_62], %broadcast_in_dim3A_8 {strides = array<i32>} : memref<192x256xf32, #tpu.memory_space<vmem>>, vector<16xf32>,
      %swap3A_64 = arith.index_cast %scan3A_24 : i32 to index
      %swap3A_65 = arith.constant 208 : index
      %swap3A_66 = tpu.vector_load %arg5[%swap3A_64, %swap3A_65] {strides = array<i32>} : memref<192x256xf32, #tpu.memory_space<vmem>>, vector<16xf32>,
      tpu.vector_store %arg5[%swap3A_64, %swap3A_65], %broadcast_in_dim3A_8 {strides = array<i32>} : memref<192x256xf32, #tpu.memory_space<vmem>>, vector<16xf32>,
      %swap3A_67 = arith.index_cast %scan3A_24 : i32 to index
      %swap3A_68 = arith.constant 224 : index
      %swap3A_69 = tpu.vector_load %arg5[%swap3A_67, %swap3A_68] {strides = array<i32>} : memref<192x256xf32, #tpu.memory_space<vmem>>, vector<16xf32>,
      tpu.vector_store %arg5[%swap3A_67, %swap3A_68], %broadcast_in_dim3A_8 {strides = array<i32>} : memref<192x256xf32, #tpu.memory_space<vmem>>, vector<16xf32>,
      %swap3A_70 = arith.index_cast %scan3A_24 : i32 to index
      %swap3A_71 = arith.constant 240 : index
      %swap3A_72 = tpu.vector_load %arg5[%swap3A_70, %swap3A_71] {strides = array<i32>} : memref<192x256xf32, #tpu.memory_space<vmem>>, vector<16xf32>,
      tpu.vector_store %arg5[%swap3A_70, %swap3A_71], %broadcast_in_dim3A_8 {strides = array<i32>} : memref<192x256xf32, #tpu.memory_space<vmem>>, vector<16xf32>,
      %scan3A_73 = arith.constant 0 : i32
      scf.yield %scan3A_73 : i32
    }
    %scan3A_16 = arith.constant 192 : i32
    %scan3A_17 = arith.constant 0 : i32
    %scan3A_18 = arith.constant 0 : i32
    %scan3A_19 = arith.constant 192 : i32
    %scan3A_20 = arith.addi %scan3A_18, %scan3A_19 : i32
    %scan3A_21 = arith.constant 1 : i32
    %scan3A_22 = scf.for %scan3A_24 = %scan3A_18 to %scan3A_20 step %scan3A_21 iter_args(%scan3A_25 = %scan3A_17) -> (i32)  : i32 {
      %get3A = arith.index_cast %scan3A_24 : i32 to index
      %get3A_26 = arith.constant 0 : index
      %get3A_27 = tpu.vector_load %arg4[%get3A, %get3A_26] {strides = array<i32>} : memref<192x16xi32, #tpu.memory_space<vmem>>, vector<16xi32>,
      %jit3A = arith.constant 0 : i32
      %jit3A_28 = arith.constant 15 : i32
      %max3A = vector.broadcast %jit3A : i32 to vector<16xi32>
      %max3A_29 = arith.maxsi %max3A, %get3A_27 : vector<16xi32>
      %min3A = vector.broadcast %jit3A_28 : i32 to vector<16xi32>
      %min3A_30 = arith.minsi %min3A, %max3A_29 : vector<16xi32>
      %add3A_31 = arith.addi %min3A_30, %mul3A_7 : vector<16xi32>
      %broadcast_in_dim3A_32 = vector.broadcast %scan3A_24 : i32 to vector<16xi32>
      tpu.vector_store_idx %arg5[%broadcast_in_dim3A_32, %add3A_31], %broadcast_in_dim3A_10 : memref<192x256xf32, #tpu.memory_space<vmem>>[vector<16xi32>, vector<16xi32>], vector<16xf32>,
      %scan3A_33 = arith.constant 0 : i32
      scf.yield %scan3A_33 : i32
    }
    %scan3A_23 = arith.constant 192 : i32
    "tpu.region"() ({
      %run_scoped3A = tpu.sem_alloc : memref<!tpu.dma_semaphore, #tpu.memory_space<semaphore_mem>>
      %dma_start3A = arith.constant 0 : i32
      %dma_start3A_24 = tpu.memref_slice %arg3[%mul3A_2, %dma_start3A] : memref<6144x256xf32, #tpu.memory_space<hbm>> -> memref<192x256xf32, #tpu.memory_space<hbm>>
      %dma_start3A_25 = arith.constant 0 : i32
      %dma_start3A_26 = tpu.memref_slice %arg3[%mul3A_2, %dma_start3A_25] : memref<6144x256xf32, #tpu.memory_space<hbm>> -> memref<192x256xf32, #tpu.memory_space<hbm>>
      tpu.enqueue_dma source(%arg5 : memref<192x256xf32, #tpu.memory_space<vmem>>) target(%dma_start3A_26 : memref<192x256xf32, #tpu.memory_space<hbm>>) target_semaphore(%run_scoped3A : memref<!tpu.dma_semaphore, #tpu.memory_space<semaphore_mem>>)
      %dma_wait3A = arith.constant 0 : i32
      %dma_wait3A_27 = tpu.memref_slice %arg3[%mul3A_2, %dma_wait3A] : memref<6144x256xf32, #tpu.memory_space<hbm>> -> memref<192x256xf32, #tpu.memory_space<hbm>>
      %dma_wait3A_28 = arith.constant 0 : i32
      %dma_wait3A_29 = tpu.memref_slice %arg3[%mul3A_2, %dma_wait3A_28] : memref<6144x256xf32, #tpu.memory_space<hbm>> -> memref<192x256xf32, #tpu.memory_space<hbm>>
      tpu.wait_dma2 semaphore(%run_scoped3A : memref<!tpu.dma_semaphore, #tpu.memory_space<semaphore_mem>>) src(%arg5 : memref<192x256xf32, #tpu.memory_space<vmem>>) dst(%dma_wait3A_29 : memref<192x256xf32, #tpu.memory_space<hbm>>)
      tpu.yield
    }) : () -> ()
    return
  }
}

module attributes {stable_mosaic.version = 14 : i64} {
  func.func @_mlp_sc_rows_kernel(%arg0: i32, %arg1: memref<2048x256xf32, #tpu.memory_space<vmem>>, %arg2: memref<16x32xf32, #tpu.memory_space<vmem>>, %arg3: memref<512x256xf32, #tpu.memory_space<vmem>>, %arg4: memref<1x256xf32, #tpu.memory_space<vmem>>, %arg5: memref<256x256xf32, #tpu.memory_space<vmem>>, %arg6: memref<1x256xf32, #tpu.memory_space<vmem>>, %arg7: memref<256x4xf32, #tpu.memory_space<vmem>>, %arg8: memref<1x4xf32, #tpu.memory_space<vmem>>, %arg9: memref<16384x4xf32, #tpu.memory_space<hbm>>, %arg10: memref<2048x4xf32, #tpu.memory_space<vmem>>, %arg11: memref<256x256xf32, #tpu.memory_space<vmem>>) attributes {dimension_semantics = [#tpu.dimension_semantics<arbitrary>], iteration_bounds = array<i64: 3>, scalar_prefetch = 0 : i64, scratch_operands = 1 : i64, tpu.core_type = #tpu.core_type<tc>, window_params = [{transform_indices = @transform_0, window_bounds = array<i64: 2048, 256>}, {pipeline_mode = #tpu.pipeline_mode<synchronous>, transform_indices = @transform_1, window_bounds = array<i64: 16, 32>}, {pipeline_mode = #tpu.pipeline_mode<synchronous>, transform_indices = @transform_2, window_bounds = array<i64: 512, 256>}, {pipeline_mode = #tpu.pipeline_mode<synchronous>, transform_indices = @transform_3, window_bounds = array<i64: 1, 256>}, {pipeline_mode = #tpu.pipeline_mode<synchronous>, transform_indices = @transform_4, window_bounds = array<i64: 256, 256>}, {pipeline_mode = #tpu.pipeline_mode<synchronous>, transform_indices = @transform_5, window_bounds = array<i64: 1, 256>}, {pipeline_mode = #tpu.pipeline_mode<synchronous>, transform_indices = @transform_6, window_bounds = array<i64: 256, 4>}, {pipeline_mode = #tpu.pipeline_mode<synchronous>, transform_indices = @transform_7, window_bounds = array<i64: 1, 4>}, {}, {transform_indices = @transform_9, window_bounds = array<i64: 2048, 4>}]} {
    %eq3A = arith.constant 0 : i32
    %eq3A_0 = arith.cmpi eq, %arg0, %eq3A : i32
    %convert_element_type3A = arith.extui %eq3A_0 : i1 to i32
    %cond3A = arith.constant 0 : i32
    %cond3A_1 = arith.cmpi ne, %convert_element_type3A, %cond3A : i32
    scf.if %cond3A_1 {
      %get3A_39 = arith.constant 0 : index
      %get3A_40 = arith.constant 0 : index
      %get3A_41 = vector.load %arg2[%get3A_39, %get3A_40] : memref<16x32xf32, #tpu.memory_space<vmem>>, vector<16x32xf32>
      %get3A_42 = arith.constant 0 : index
      %get3A_43 = arith.constant 0 : index
      %get3A_44 = vector.load %arg3[%get3A_42, %get3A_43] : memref<512x256xf32, #tpu.memory_space<vmem>>, vector<32x256xf32>
      %dot_general3A_45 = arith.constant dense<0.000000e+00> : vector<16x256xf32>
      %dot_general3A_46 = tpu.matmul %get3A_41, %get3A_44, %dot_general3A_45 {dimension_numbers = #tpu.dot_dimension_numbers<[1], [0], [0], [1], [0, 0, 1, 1], [], []>, transpose_lhs_hint = false} : vector<16x32xf32>, vector<32x256xf32>, vector<16x256xf32> -> vector<16x256xf32>
      %swap3A_47 = arith.constant 0 : index
      %swap3A_48 = arith.constant 0 : index
      %swap3A_49 = vector.load %arg11[%swap3A_47, %swap3A_48] : memref<256x256xf32, #tpu.memory_space<vmem>>, vector<16x256xf32>
      tpu.vector_store %arg11[%swap3A_47, %swap3A_48], %dot_general3A_46 {strides = array<i32>} : memref<256x256xf32, #tpu.memory_space<vmem>>, vector<16x256xf32>,
      %get3A_50 = arith.constant 32 : index
      %get3A_51 = arith.constant 0 : index
      %get3A_52 = vector.load %arg3[%get3A_50, %get3A_51] : memref<512x256xf32, #tpu.memory_space<vmem>>, vector<32x256xf32>
      %dot_general3A_53 = arith.constant dense<0.000000e+00> : vector<16x256xf32>
      %dot_general3A_54 = tpu.matmul %get3A_41, %get3A_52, %dot_general3A_53 {dimension_numbers = #tpu.dot_dimension_numbers<[1], [0], [0], [1], [0, 0, 1, 1], [], []>, transpose_lhs_hint = false} : vector<16x32xf32>, vector<32x256xf32>, vector<16x256xf32> -> vector<16x256xf32>
      %swap3A_55 = arith.constant 16 : index
      %swap3A_56 = arith.constant 0 : index
      %swap3A_57 = vector.load %arg11[%swap3A_55, %swap3A_56] : memref<256x256xf32, #tpu.memory_space<vmem>>, vector<16x256xf32>
      tpu.vector_store %arg11[%swap3A_55, %swap3A_56], %dot_general3A_54 {strides = array<i32>} : memref<256x256xf32, #tpu.memory_space<vmem>>, vector<16x256xf32>,
      %get3A_58 = arith.constant 64 : index
      %get3A_59 = arith.constant 0 : index
      %get3A_60 = vector.load %arg3[%get3A_58, %get3A_59] : memref<512x256xf32, #tpu.memory_space<vmem>>, vector<32x256xf32>
      %dot_general3A_61 = arith.constant dense<0.000000e+00> : vector<16x256xf32>
      %dot_general3A_62 = tpu.matmul %get3A_41, %get3A_60, %dot_general3A_61 {dimension_numbers = #tpu.dot_dimension_numbers<[1], [0], [0], [1], [0, 0, 1, 1], [], []>, transpose_lhs_hint = false} : vector<16x32xf32>, vector<32x256xf32>, vector<16x256xf32> -> vector<16x256xf32>
      %swap3A_63 = arith.constant 32 : index
      %swap3A_64 = arith.constant 0 : index
      %swap3A_65 = vector.load %arg11[%swap3A_63, %swap3A_64] : memref<256x256xf32, #tpu.memory_space<vmem>>, vector<16x256xf32>
      tpu.vector_store %arg11[%swap3A_63, %swap3A_64], %dot_general3A_62 {strides = array<i32>} : memref<256x256xf32, #tpu.memory_space<vmem>>, vector<16x256xf32>,
      %get3A_66 = arith.constant 96 : index
      %get3A_67 = arith.constant 0 : index
      %get3A_68 = vector.load %arg3[%get3A_66, %get3A_67] : memref<512x256xf32, #tpu.memory_space<vmem>>, vector<32x256xf32>
      %dot_general3A_69 = arith.constant dense<0.000000e+00> : vector<16x256xf32>
      %dot_general3A_70 = tpu.matmul %get3A_41, %get3A_68, %dot_general3A_69 {dimension_numbers = #tpu.dot_dimension_numbers<[1], [0], [0], [1], [0, 0, 1, 1], [], []>, transpose_lhs_hint = false} : vector<16x32xf32>, vector<32x256xf32>, vector<16x256xf32> -> vector<16x256xf32>
      %swap3A_71 = arith.constant 48 : index
      %swap3A_72 = arith.constant 0 : index
      %swap3A_73 = vector.load %arg11[%swap3A_71, %swap3A_72] : memref<256x256xf32, #tpu.memory_space<vmem>>, vector<16x256xf32>
      tpu.vector_store %arg11[%swap3A_71, %swap3A_72], %dot_general3A_70 {strides = array<i32>} : memref<256x256xf32, #tpu.memory_space<vmem>>, vector<16x256xf32>,
      %get3A_74 = arith.constant 128 : index
      %get3A_75 = arith.constant 0 : index
      %get3A_76 = vector.load %arg3[%get3A_74, %get3A_75] : memref<512x256xf32, #tpu.memory_space<vmem>>, vector<32x256xf32>
      %dot_general3A_77 = arith.constant dense<0.000000e+00> : vector<16x256xf32>
      %dot_general3A_78 = tpu.matmul %get3A_41, %get3A_76, %dot_general3A_77 {dimension_numbers = #tpu.dot_dimension_numbers<[1], [0], [0], [1], [0, 0, 1, 1], [], []>, transpose_lhs_hint = false} : vector<16x32xf32>, vector<32x256xf32>, vector<16x256xf32> -> vector<16x256xf32>
      %swap3A_79 = arith.constant 64 : index
      %swap3A_80 = arith.constant 0 : index
      %swap3A_81 = vector.load %arg11[%swap3A_79, %swap3A_80] : memref<256x256xf32, #tpu.memory_space<vmem>>, vector<16x256xf32>
      tpu.vector_store %arg11[%swap3A_79, %swap3A_80], %dot_general3A_78 {strides = array<i32>} : memref<256x256xf32, #tpu.memory_space<vmem>>, vector<16x256xf32>,
      %get3A_82 = arith.constant 160 : index
      %get3A_83 = arith.constant 0 : index
      %get3A_84 = vector.load %arg3[%get3A_82, %get3A_83] : memref<512x256xf32, #tpu.memory_space<vmem>>, vector<32x256xf32>
      %dot_general3A_85 = arith.constant dense<0.000000e+00> : vector<16x256xf32>
      %dot_general3A_86 = tpu.matmul %get3A_41, %get3A_84, %dot_general3A_85 {dimension_numbers = #tpu.dot_dimension_numbers<[1], [0], [0], [1], [0, 0, 1, 1], [], []>, transpose_lhs_hint = false} : vector<16x32xf32>, vector<32x256xf32>, vector<16x256xf32> -> vector<16x256xf32>
      %swap3A_87 = arith.constant 80 : index
      %swap3A_88 = arith.constant 0 : index
      %swap3A_89 = vector.load %arg11[%swap3A_87, %swap3A_88] : memref<256x256xf32, #tpu.memory_space<vmem>>, vector<16x256xf32>
      tpu.vector_store %arg11[%swap3A_87, %swap3A_88], %dot_general3A_86 {strides = array<i32>} : memref<256x256xf32, #tpu.memory_space<vmem>>, vector<16x256xf32>,
      %get3A_90 = arith.constant 192 : index
      %get3A_91 = arith.constant 0 : index
      %get3A_92 = vector.load %arg3[%get3A_90, %get3A_91] : memref<512x256xf32, #tpu.memory_space<vmem>>, vector<32x256xf32>
      %dot_general3A_93 = arith.constant dense<0.000000e+00> : vector<16x256xf32>
      %dot_general3A_94 = tpu.matmul %get3A_41, %get3A_92, %dot_general3A_93 {dimension_numbers = #tpu.dot_dimension_numbers<[1], [0], [0], [1], [0, 0, 1, 1], [], []>, transpose_lhs_hint = false} : vector<16x32xf32>, vector<32x256xf32>, vector<16x256xf32> -> vector<16x256xf32>
      %swap3A_95 = arith.constant 96 : index
      %swap3A_96 = arith.constant 0 : index
      %swap3A_97 = vector.load %arg11[%swap3A_95, %swap3A_96] : memref<256x256xf32, #tpu.memory_space<vmem>>, vector<16x256xf32>
      tpu.vector_store %arg11[%swap3A_95, %swap3A_96], %dot_general3A_94 {strides = array<i32>} : memref<256x256xf32, #tpu.memory_space<vmem>>, vector<16x256xf32>,
      %get3A_98 = arith.constant 224 : index
      %get3A_99 = arith.constant 0 : index
      %get3A_100 = vector.load %arg3[%get3A_98, %get3A_99] : memref<512x256xf32, #tpu.memory_space<vmem>>, vector<32x256xf32>
      %dot_general3A_101 = arith.constant dense<0.000000e+00> : vector<16x256xf32>
      %dot_general3A_102 = tpu.matmul %get3A_41, %get3A_100, %dot_general3A_101 {dimension_numbers = #tpu.dot_dimension_numbers<[1], [0], [0], [1], [0, 0, 1, 1], [], []>, transpose_lhs_hint = false} : vector<16x32xf32>, vector<32x256xf32>, vector<16x256xf32> -> vector<16x256xf32>
      %swap3A_103 = arith.constant 112 : index
      %swap3A_104 = arith.constant 0 : index
      %swap3A_105 = vector.load %arg11[%swap3A_103, %swap3A_104] : memref<256x256xf32, #tpu.memory_space<vmem>>, vector<16x256xf32>
      tpu.vector_store %arg11[%swap3A_103, %swap3A_104], %dot_general3A_102 {strides = array<i32>} : memref<256x256xf32, #tpu.memory_space<vmem>>, vector<16x256xf32>,
      %get3A_106 = arith.constant 256 : index
      %get3A_107 = arith.constant 0 : index
      %get3A_108 = vector.load %arg3[%get3A_106, %get3A_107] : memref<512x256xf32, #tpu.memory_space<vmem>>, vector<32x256xf32>
      %dot_general3A_109 = arith.constant dense<0.000000e+00> : vector<16x256xf32>
      %dot_general3A_110 = tpu.matmul %get3A_41, %get3A_108, %dot_general3A_109 {dimension_numbers = #tpu.dot_dimension_numbers<[1], [0], [0], [1], [0, 0, 1, 1], [], []>, transpose_lhs_hint = false} : vector<16x32xf32>, vector<32x256xf32>, vector<16x256xf32> -> vector<16x256xf32>
      %swap3A_111 = arith.constant 128 : index
      %swap3A_112 = arith.constant 0 : index
      %swap3A_113 = vector.load %arg11[%swap3A_111, %swap3A_112] : memref<256x256xf32, #tpu.memory_space<vmem>>, vector<16x256xf32>
      tpu.vector_store %arg11[%swap3A_111, %swap3A_112], %dot_general3A_110 {strides = array<i32>} : memref<256x256xf32, #tpu.memory_space<vmem>>, vector<16x256xf32>,
      %get3A_114 = arith.constant 288 : index
      %get3A_115 = arith.constant 0 : index
      %get3A_116 = vector.load %arg3[%get3A_114, %get3A_115] : memref<512x256xf32, #tpu.memory_space<vmem>>, vector<32x256xf32>
      %dot_general3A_117 = arith.constant dense<0.000000e+00> : vector<16x256xf32>
      %dot_general3A_118 = tpu.matmul %get3A_41, %get3A_116, %dot_general3A_117 {dimension_numbers = #tpu.dot_dimension_numbers<[1], [0], [0], [1], [0, 0, 1, 1], [], []>, transpose_lhs_hint = false} : vector<16x32xf32>, vector<32x256xf32>, vector<16x256xf32> -> vector<16x256xf32>
      %swap3A_119 = arith.constant 144 : index
      %swap3A_120 = arith.constant 0 : index
      %swap3A_121 = vector.load %arg11[%swap3A_119, %swap3A_120] : memref<256x256xf32, #tpu.memory_space<vmem>>, vector<16x256xf32>
      tpu.vector_store %arg11[%swap3A_119, %swap3A_120], %dot_general3A_118 {strides = array<i32>} : memref<256x256xf32, #tpu.memory_space<vmem>>, vector<16x256xf32>,
      %get3A_122 = arith.constant 320 : index
      %get3A_123 = arith.constant 0 : index
      %get3A_124 = vector.load %arg3[%get3A_122, %get3A_123] : memref<512x256xf32, #tpu.memory_space<vmem>>, vector<32x256xf32>
      %dot_general3A_125 = arith.constant dense<0.000000e+00> : vector<16x256xf32>
      %dot_general3A_126 = tpu.matmul %get3A_41, %get3A_124, %dot_general3A_125 {dimension_numbers = #tpu.dot_dimension_numbers<[1], [0], [0], [1], [0, 0, 1, 1], [], []>, transpose_lhs_hint = false} : vector<16x32xf32>, vector<32x256xf32>, vector<16x256xf32> -> vector<16x256xf32>
      %swap3A_127 = arith.constant 160 : index
      %swap3A_128 = arith.constant 0 : index
      %swap3A_129 = vector.load %arg11[%swap3A_127, %swap3A_128] : memref<256x256xf32, #tpu.memory_space<vmem>>, vector<16x256xf32>
      tpu.vector_store %arg11[%swap3A_127, %swap3A_128], %dot_general3A_126 {strides = array<i32>} : memref<256x256xf32, #tpu.memory_space<vmem>>, vector<16x256xf32>,
      %get3A_130 = arith.constant 352 : index
      %get3A_131 = arith.constant 0 : index
      %get3A_132 = vector.load %arg3[%get3A_130, %get3A_131] : memref<512x256xf32, #tpu.memory_space<vmem>>, vector<32x256xf32>
      %dot_general3A_133 = arith.constant dense<0.000000e+00> : vector<16x256xf32>
      %dot_general3A_134 = tpu.matmul %get3A_41, %get3A_132, %dot_general3A_133 {dimension_numbers = #tpu.dot_dimension_numbers<[1], [0], [0], [1], [0, 0, 1, 1], [], []>, transpose_lhs_hint = false} : vector<16x32xf32>, vector<32x256xf32>, vector<16x256xf32> -> vector<16x256xf32>
      %swap3A_135 = arith.constant 176 : index
      %swap3A_136 = arith.constant 0 : index
      %swap3A_137 = vector.load %arg11[%swap3A_135, %swap3A_136] : memref<256x256xf32, #tpu.memory_space<vmem>>, vector<16x256xf32>
      tpu.vector_store %arg11[%swap3A_135, %swap3A_136], %dot_general3A_134 {strides = array<i32>} : memref<256x256xf32, #tpu.memory_space<vmem>>, vector<16x256xf32>,
      %get3A_138 = arith.constant 384 : index
      %get3A_139 = arith.constant 0 : index
      %get3A_140 = vector.load %arg3[%get3A_138, %get3A_139] : memref<512x256xf32, #tpu.memory_space<vmem>>, vector<32x256xf32>
      %dot_general3A_141 = arith.constant dense<0.000000e+00> : vector<16x256xf32>
      %dot_general3A_142 = tpu.matmul %get3A_41, %get3A_140, %dot_general3A_141 {dimension_numbers = #tpu.dot_dimension_numbers<[1], [0], [0], [1], [0, 0, 1, 1], [], []>, transpose_lhs_hint = false} : vector<16x32xf32>, vector<32x256xf32>, vector<16x256xf32> -> vector<16x256xf32>
      %swap3A_143 = arith.constant 192 : index
      %swap3A_144 = arith.constant 0 : index
      %swap3A_145 = vector.load %arg11[%swap3A_143, %swap3A_144] : memref<256x256xf32, #tpu.memory_space<vmem>>, vector<16x256xf32>
      tpu.vector_store %arg11[%swap3A_143, %swap3A_144], %dot_general3A_142 {strides = array<i32>} : memref<256x256xf32, #tpu.memory_space<vmem>>, vector<16x256xf32>,
      %get3A_146 = arith.constant 416 : index
      %get3A_147 = arith.constant 0 : index
      %get3A_148 = vector.load %arg3[%get3A_146, %get3A_147] : memref<512x256xf32, #tpu.memory_space<vmem>>, vector<32x256xf32>
      %dot_general3A_149 = arith.constant dense<0.000000e+00> : vector<16x256xf32>
      %dot_general3A_150 = tpu.matmul %get3A_41, %get3A_148, %dot_general3A_149 {dimension_numbers = #tpu.dot_dimension_numbers<[1], [0], [0], [1], [0, 0, 1, 1], [], []>, transpose_lhs_hint = false} : vector<16x32xf32>, vector<32x256xf32>, vector<16x256xf32> -> vector<16x256xf32>
      %swap3A_151 = arith.constant 208 : index
      %swap3A_152 = arith.constant 0 : index
      %swap3A_153 = vector.load %arg11[%swap3A_151, %swap3A_152] : memref<256x256xf32, #tpu.memory_space<vmem>>, vector<16x256xf32>
      tpu.vector_store %arg11[%swap3A_151, %swap3A_152], %dot_general3A_150 {strides = array<i32>} : memref<256x256xf32, #tpu.memory_space<vmem>>, vector<16x256xf32>,
      %get3A_154 = arith.constant 448 : index
      %get3A_155 = arith.constant 0 : index
      %get3A_156 = vector.load %arg3[%get3A_154, %get3A_155] : memref<512x256xf32, #tpu.memory_space<vmem>>, vector<32x256xf32>
      %dot_general3A_157 = arith.constant dense<0.000000e+00> : vector<16x256xf32>
      %dot_general3A_158 = tpu.matmul %get3A_41, %get3A_156, %dot_general3A_157 {dimension_numbers = #tpu.dot_dimension_numbers<[1], [0], [0], [1], [0, 0, 1, 1], [], []>, transpose_lhs_hint = false} : vector<16x32xf32>, vector<32x256xf32>, vector<16x256xf32> -> vector<16x256xf32>
      %swap3A_159 = arith.constant 224 : index
      %swap3A_160 = arith.constant 0 : index
      %swap3A_161 = vector.load %arg11[%swap3A_159, %swap3A_160] : memref<256x256xf32, #tpu.memory_space<vmem>>, vector<16x256xf32>
      tpu.vector_store %arg11[%swap3A_159, %swap3A_160], %dot_general3A_158 {strides = array<i32>} : memref<256x256xf32, #tpu.memory_space<vmem>>, vector<16x256xf32>,
      %get3A_162 = arith.constant 480 : index
      %get3A_163 = arith.constant 0 : index
      %get3A_164 = vector.load %arg3[%get3A_162, %get3A_163] : memref<512x256xf32, #tpu.memory_space<vmem>>, vector<32x256xf32>
      %dot_general3A_165 = arith.constant dense<0.000000e+00> : vector<16x256xf32>
      %dot_general3A_166 = tpu.matmul %get3A_41, %get3A_164, %dot_general3A_165 {dimension_numbers = #tpu.dot_dimension_numbers<[1], [0], [0], [1], [0, 0, 1, 1], [], []>, transpose_lhs_hint = false} : vector<16x32xf32>, vector<32x256xf32>, vector<16x256xf32> -> vector<16x256xf32>
      %swap3A_167 = arith.constant 240 : index
      %swap3A_168 = arith.constant 0 : index
      %swap3A_169 = vector.load %arg11[%swap3A_167, %swap3A_168] : memref<256x256xf32, #tpu.memory_space<vmem>>, vector<16x256xf32>
      tpu.vector_store %arg11[%swap3A_167, %swap3A_168], %dot_general3A_166 {strides = array<i32>} : memref<256x256xf32, #tpu.memory_space<vmem>>, vector<16x256xf32>,
    } else {
    }
    %get3A = arith.constant 0 : index
    %get3A_2 = arith.constant 0 : index
    %get3A_3 = vector.load %arg1[%get3A, %get3A_2] : memref<2048x256xf32, #tpu.memory_space<vmem>>, vector<2048x256xf32>
    %get3A_4 = arith.constant 0 : index
    %get3A_5 = arith.constant 0 : index
    %get3A_6 = vector.load %arg11[%get3A_4, %get3A_5] : memref<256x256xf32, #tpu.memory_space<vmem>>, vector<256x256xf32>
    %dot_general3A = arith.constant dense<0.000000e+00> : vector<2048x256xf32>
    %dot_general3A_7 = tpu.matmul %get3A_3, %get3A_6, %dot_general3A {dimension_numbers = #tpu.dot_dimension_numbers<[1], [0], [0], [1], [0, 0, 1, 1], [], []>, transpose_lhs_hint = false} : vector<2048x256xf32>, vector<256x256xf32>, vector<2048x256xf32> -> vector<2048x256xf32>
    %get3A_8 = arith.constant 0 : index
    %get3A_9 = arith.constant 0 : index
    %get3A_10 = vector.load %arg4[%get3A_8, %get3A_9] : memref<1x256xf32, #tpu.memory_space<vmem>>, vector<1x256xf32>
    %add3A = vector.broadcast %get3A_10 : vector<1x256xf32> to vector<2048x256xf32>
    %add3A_11 = arith.addf %dot_general3A_7, %add3A : vector<2048x256xf32>
    %max3A = arith.constant 0.000000e+00 : f32
    %max3A_12 = vector.broadcast %max3A : f32 to vector<2048x256xf32>
    %max3A_13 = arith.maximumf %add3A_11, %max3A_12 : vector<2048x256xf32>
    %get3A_14 = arith.constant 0 : index
    %get3A_15 = arith.constant 0 : index
    %get3A_16 = vector.load %arg5[%get3A_14, %get3A_15] : memref<256x256xf32, #tpu.memory_space<vmem>>, vector<256x256xf32>
    %dot_general3A_17 = arith.constant dense<0.000000e+00> : vector<2048x256xf32>
    %dot_general3A_18 = tpu.matmul %max3A_13, %get3A_16, %dot_general3A_17 {dimension_numbers = #tpu.dot_dimension_numbers<[1], [0], [0], [1], [0, 0, 1, 1], [], []>, transpose_lhs_hint = false} : vector<2048x256xf32>, vector<256x256xf32>, vector<2048x256xf32> -> vector<2048x256xf32>
    %get3A_19 = arith.constant 0 : index
    %get3A_20 = arith.constant 0 : index
    %get3A_21 = vector.load %arg6[%get3A_19, %get3A_20] : memref<1x256xf32, #tpu.memory_space<vmem>>, vector<1x256xf32>
    %add3A_22 = vector.broadcast %get3A_21 : vector<1x256xf32> to vector<2048x256xf32>
    %add3A_23 = arith.addf %dot_general3A_18, %add3A_22 : vector<2048x256xf32>
    %max3A_24 = arith.constant 0.000000e+00 : f32
    %max3A_25 = vector.broadcast %max3A_24 : f32 to vector<2048x256xf32>
    %max3A_26 = arith.maximumf %add3A_23, %max3A_25 : vector<2048x256xf32>
    %get3A_27 = arith.constant 0 : index
    %get3A_28 = arith.constant 0 : index
    %get3A_29 = vector.load %arg7[%get3A_27, %get3A_28] : memref<256x4xf32, #tpu.memory_space<vmem>>, vector<256x4xf32>
    %dot_general3A_30 = arith.constant dense<0.000000e+00> : vector<2048x4xf32>
    %dot_general3A_31 = tpu.matmul %max3A_26, %get3A_29, %dot_general3A_30 {dimension_numbers = #tpu.dot_dimension_numbers<[1], [0], [0], [1], [0, 0, 1, 1], [], []>, transpose_lhs_hint = false} : vector<2048x256xf32>, vector<256x4xf32>, vector<2048x4xf32> -> vector<2048x4xf32>
    %get3A_32 = arith.constant 0 : index
    %get3A_33 = arith.constant 0 : index
    %get3A_34 = vector.load %arg8[%get3A_32, %get3A_33] : memref<1x4xf32, #tpu.memory_space<vmem>>, vector<1x4xf32>
    %add3A_35 = vector.broadcast %get3A_34 : vector<1x4xf32> to vector<2048x4xf32>
    %add3A_36 = arith.addf %dot_general3A_31, %add3A_35 : vector<2048x4xf32>
    %swap3A = arith.constant 0 : index
    %swap3A_37 = arith.constant 0 : index
    %swap3A_38 = vector.load %arg10[%swap3A, %swap3A_37] : memref<2048x4xf32, #tpu.memory_space<vmem>>, vector<2048x4xf32>
    tpu.vector_store %arg10[%swap3A, %swap3A_37], %add3A_36 {strides = array<i32>} : memref<2048x4xf32, #tpu.memory_space<vmem>>, vector<2048x4xf32>,
    return
  }
  func.func @transform_0(%arg0: i32) -> (i32, i32) {
    %c0_i32 = arith.constant 0 : i32
    %c0_i32_0 = arith.constant 0 : i32
    return %arg0, %c0_i32 : i32, i32
  }
  func.func @transform_1(%arg0: i32) -> (i32, i32) {
    %c0_i32 = arith.constant 0 : i32
    %c0_i32_0 = arith.constant 0 : i32
    %c0_i32_1 = arith.constant 0 : i32
    return %c0_i32, %c0_i32_0 : i32, i32
  }
  func.func @transform_2(%arg0: i32) -> (i32, i32) {
    %c0_i32 = arith.constant 0 : i32
    %c0_i32_0 = arith.constant 0 : i32
    %c0_i32_1 = arith.constant 0 : i32
    return %c0_i32, %c0_i32_0 : i32, i32
  }
  func.func @transform_3(%arg0: i32) -> (i32, i32) {
    %c0_i32 = arith.constant 0 : i32
    %c0_i32_0 = arith.constant 0 : i32
    %c0_i32_1 = arith.constant 0 : i32
    return %c0_i32, %c0_i32_0 : i32, i32
  }
  func.func @transform_4(%arg0: i32) -> (i32, i32) {
    %c0_i32 = arith.constant 0 : i32
    %c0_i32_0 = arith.constant 0 : i32
    %c0_i32_1 = arith.constant 0 : i32
    return %c0_i32, %c0_i32_0 : i32, i32
  }
  func.func @transform_5(%arg0: i32) -> (i32, i32) {
    %c0_i32 = arith.constant 0 : i32
    %c0_i32_0 = arith.constant 0 : i32
    %c0_i32_1 = arith.constant 0 : i32
    return %c0_i32, %c0_i32_0 : i32, i32
  }
  func.func @transform_6(%arg0: i32) -> (i32, i32) {
    %c0_i32 = arith.constant 0 : i32
    %c0_i32_0 = arith.constant 0 : i32
    %c0_i32_1 = arith.constant 0 : i32
    return %c0_i32, %c0_i32_0 : i32, i32
  }
  func.func @transform_7(%arg0: i32) -> (i32, i32) {
    %c0_i32 = arith.constant 0 : i32
    %c0_i32_0 = arith.constant 0 : i32
    %c0_i32_1 = arith.constant 0 : i32
    return %c0_i32, %c0_i32_0 : i32, i32
  }
  func.func @transform_9(%arg0: i32) -> (i32, i32) {
    %add3A = arith.constant 5 : i32
    %add3A_0 = arith.addi %arg0, %add3A : i32
    %c0_i32 = arith.constant 0 : i32
    %c0_i32_1 = arith.constant 0 : i32
    return %add3A_0, %c0_i32 : i32, i32
  }
}

module attributes {stable_mosaic.version = 14 : i64} {
  func.func @_lookup_mlp_kernel(%arg0: i32, %arg1: memref<2048x16xi32, #tpu.memory_space<vmem>>, %arg2: memref<16x32xf32, #tpu.memory_space<vmem>>, %arg3: memref<512x256xf32, #tpu.memory_space<vmem>>, %arg4: memref<1x256xf32, #tpu.memory_space<vmem>>, %arg5: memref<256x256xf32, #tpu.memory_space<vmem>>, %arg6: memref<1x256xf32, #tpu.memory_space<vmem>>, %arg7: memref<256x4xf32, #tpu.memory_space<vmem>>, %arg8: memref<1x4xf32, #tpu.memory_space<vmem>>, %arg9: memref<2048x4xf32, #tpu.memory_space<vmem>>, %arg10: memref<256x256xf32, #tpu.memory_space<vmem>>) attributes {dimension_semantics = [#tpu.dimension_semantics<arbitrary>], iteration_bounds = array<i64: 5>, scalar_prefetch = 0 : i64, scratch_operands = 1 : i64, tpu.core_type = #tpu.core_type<tc>, window_params = [{transform_indices = @transform_0, window_bounds = array<i64: 2048, 16>}, {pipeline_mode = #tpu.pipeline_mode<synchronous>, transform_indices = @transform_1, window_bounds = array<i64: 16, 32>}, {pipeline_mode = #tpu.pipeline_mode<synchronous>, transform_indices = @transform_2, window_bounds = array<i64: 512, 256>}, {pipeline_mode = #tpu.pipeline_mode<synchronous>, transform_indices = @transform_3, window_bounds = array<i64: 1, 256>}, {pipeline_mode = #tpu.pipeline_mode<synchronous>, transform_indices = @transform_4, window_bounds = array<i64: 256, 256>}, {pipeline_mode = #tpu.pipeline_mode<synchronous>, transform_indices = @transform_5, window_bounds = array<i64: 1, 256>}, {pipeline_mode = #tpu.pipeline_mode<synchronous>, transform_indices = @transform_6, window_bounds = array<i64: 256, 4>}, {pipeline_mode = #tpu.pipeline_mode<synchronous>, transform_indices = @transform_7, window_bounds = array<i64: 1, 4>}, {transform_indices = @transform_8, window_bounds = array<i64: 2048, 4>}]} {
    %eq3A = arith.constant 0 : i32
    %eq3A_0 = arith.cmpi eq, %arg0, %eq3A : i32
    %convert_element_type3A = arith.extui %eq3A_0 : i1 to i32
    %cond3A = arith.constant 0 : i32
    %cond3A_1 = arith.cmpi ne, %convert_element_type3A, %cond3A : i32
    scf.if %cond3A_1 {
      %get3A_102 = arith.constant 0 : index
      %get3A_103 = arith.constant 0 : index
      %get3A_104 = vector.load %arg2[%get3A_102, %get3A_103] : memref<16x32xf32, #tpu.memory_space<vmem>>, vector<16x32xf32>
      %get3A_105 = arith.constant 0 : index
      %get3A_106 = arith.constant 0 : index
      %get3A_107 = vector.load %arg3[%get3A_105, %get3A_106] : memref<512x256xf32, #tpu.memory_space<vmem>>, vector<32x256xf32>
      %dot_general3A_108 = arith.constant dense<0.000000e+00> : vector<16x256xf32>
      %dot_general3A_109 = tpu.matmul %get3A_104, %get3A_107, %dot_general3A_108 {dimension_numbers = #tpu.dot_dimension_numbers<[1], [0], [0], [1], [0, 0, 1, 1], [], []>, transpose_lhs_hint = false} : vector<16x32xf32>, vector<32x256xf32>, vector<16x256xf32> -> vector<16x256xf32>
      %swap3A_110 = arith.constant 0 : index
      %swap3A_111 = arith.constant 0 : index
      %swap3A_112 = vector.load %arg10[%swap3A_110, %swap3A_111] : memref<256x256xf32, #tpu.memory_space<vmem>>, vector<16x256xf32>
      tpu.vector_store %arg10[%swap3A_110, %swap3A_111], %dot_general3A_109 {strides = array<i32>} : memref<256x256xf32, #tpu.memory_space<vmem>>, vector<16x256xf32>,
      %get3A_113 = arith.constant 32 : index
      %get3A_114 = arith.constant 0 : index
      %get3A_115 = vector.load %arg3[%get3A_113, %get3A_114] : memref<512x256xf32, #tpu.memory_space<vmem>>, vector<32x256xf32>
      %dot_general3A_116 = arith.constant dense<0.000000e+00> : vector<16x256xf32>
      %dot_general3A_117 = tpu.matmul %get3A_104, %get3A_115, %dot_general3A_116 {dimension_numbers = #tpu.dot_dimension_numbers<[1], [0], [0], [1], [0, 0, 1, 1], [], []>, transpose_lhs_hint = false} : vector<16x32xf32>, vector<32x256xf32>, vector<16x256xf32> -> vector<16x256xf32>
      %swap3A_118 = arith.constant 16 : index
      %swap3A_119 = arith.constant 0 : index
      %swap3A_120 = vector.load %arg10[%swap3A_118, %swap3A_119] : memref<256x256xf32, #tpu.memory_space<vmem>>, vector<16x256xf32>
      tpu.vector_store %arg10[%swap3A_118, %swap3A_119], %dot_general3A_117 {strides = array<i32>} : memref<256x256xf32, #tpu.memory_space<vmem>>, vector<16x256xf32>,
      %get3A_121 = arith.constant 64 : index
      %get3A_122 = arith.constant 0 : index
      %get3A_123 = vector.load %arg3[%get3A_121, %get3A_122] : memref<512x256xf32, #tpu.memory_space<vmem>>, vector<32x256xf32>
      %dot_general3A_124 = arith.constant dense<0.000000e+00> : vector<16x256xf32>
      %dot_general3A_125 = tpu.matmul %get3A_104, %get3A_123, %dot_general3A_124 {dimension_numbers = #tpu.dot_dimension_numbers<[1], [0], [0], [1], [0, 0, 1, 1], [], []>, transpose_lhs_hint = false} : vector<16x32xf32>, vector<32x256xf32>, vector<16x256xf32> -> vector<16x256xf32>
      %swap3A_126 = arith.constant 32 : index
      %swap3A_127 = arith.constant 0 : index
      %swap3A_128 = vector.load %arg10[%swap3A_126, %swap3A_127] : memref<256x256xf32, #tpu.memory_space<vmem>>, vector<16x256xf32>
      tpu.vector_store %arg10[%swap3A_126, %swap3A_127], %dot_general3A_125 {strides = array<i32>} : memref<256x256xf32, #tpu.memory_space<vmem>>, vector<16x256xf32>,
      %get3A_129 = arith.constant 96 : index
      %get3A_130 = arith.constant 0 : index
      %get3A_131 = vector.load %arg3[%get3A_129, %get3A_130] : memref<512x256xf32, #tpu.memory_space<vmem>>, vector<32x256xf32>
      %dot_general3A_132 = arith.constant dense<0.000000e+00> : vector<16x256xf32>
      %dot_general3A_133 = tpu.matmul %get3A_104, %get3A_131, %dot_general3A_132 {dimension_numbers = #tpu.dot_dimension_numbers<[1], [0], [0], [1], [0, 0, 1, 1], [], []>, transpose_lhs_hint = false} : vector<16x32xf32>, vector<32x256xf32>, vector<16x256xf32> -> vector<16x256xf32>
      %swap3A_134 = arith.constant 48 : index
      %swap3A_135 = arith.constant 0 : index
      %swap3A_136 = vector.load %arg10[%swap3A_134, %swap3A_135] : memref<256x256xf32, #tpu.memory_space<vmem>>, vector<16x256xf32>
      tpu.vector_store %arg10[%swap3A_134, %swap3A_135], %dot_general3A_133 {strides = array<i32>} : memref<256x256xf32, #tpu.memory_space<vmem>>, vector<16x256xf32>,
      %get3A_137 = arith.constant 128 : index
      %get3A_138 = arith.constant 0 : index
      %get3A_139 = vector.load %arg3[%get3A_137, %get3A_138] : memref<512x256xf32, #tpu.memory_space<vmem>>, vector<32x256xf32>
      %dot_general3A_140 = arith.constant dense<0.000000e+00> : vector<16x256xf32>
      %dot_general3A_141 = tpu.matmul %get3A_104, %get3A_139, %dot_general3A_140 {dimension_numbers = #tpu.dot_dimension_numbers<[1], [0], [0], [1], [0, 0, 1, 1], [], []>, transpose_lhs_hint = false} : vector<16x32xf32>, vector<32x256xf32>, vector<16x256xf32> -> vector<16x256xf32>
      %swap3A_142 = arith.constant 64 : index
      %swap3A_143 = arith.constant 0 : index
      %swap3A_144 = vector.load %arg10[%swap3A_142, %swap3A_143] : memref<256x256xf32, #tpu.memory_space<vmem>>, vector<16x256xf32>
      tpu.vector_store %arg10[%swap3A_142, %swap3A_143], %dot_general3A_141 {strides = array<i32>} : memref<256x256xf32, #tpu.memory_space<vmem>>, vector<16x256xf32>,
      %get3A_145 = arith.constant 160 : index
      %get3A_146 = arith.constant 0 : index
      %get3A_147 = vector.load %arg3[%get3A_145, %get3A_146] : memref<512x256xf32, #tpu.memory_space<vmem>>, vector<32x256xf32>
      %dot_general3A_148 = arith.constant dense<0.000000e+00> : vector<16x256xf32>
      %dot_general3A_149 = tpu.matmul %get3A_104, %get3A_147, %dot_general3A_148 {dimension_numbers = #tpu.dot_dimension_numbers<[1], [0], [0], [1], [0, 0, 1, 1], [], []>, transpose_lhs_hint = false} : vector<16x32xf32>, vector<32x256xf32>, vector<16x256xf32> -> vector<16x256xf32>
      %swap3A_150 = arith.constant 80 : index
      %swap3A_151 = arith.constant 0 : index
      %swap3A_152 = vector.load %arg10[%swap3A_150, %swap3A_151] : memref<256x256xf32, #tpu.memory_space<vmem>>, vector<16x256xf32>
      tpu.vector_store %arg10[%swap3A_150, %swap3A_151], %dot_general3A_149 {strides = array<i32>} : memref<256x256xf32, #tpu.memory_space<vmem>>, vector<16x256xf32>,
      %get3A_153 = arith.constant 192 : index
      %get3A_154 = arith.constant 0 : index
      %get3A_155 = vector.load %arg3[%get3A_153, %get3A_154] : memref<512x256xf32, #tpu.memory_space<vmem>>, vector<32x256xf32>
      %dot_general3A_156 = arith.constant dense<0.000000e+00> : vector<16x256xf32>
      %dot_general3A_157 = tpu.matmul %get3A_104, %get3A_155, %dot_general3A_156 {dimension_numbers = #tpu.dot_dimension_numbers<[1], [0], [0], [1], [0, 0, 1, 1], [], []>, transpose_lhs_hint = false} : vector<16x32xf32>, vector<32x256xf32>, vector<16x256xf32> -> vector<16x256xf32>
      %swap3A_158 = arith.constant 96 : index
      %swap3A_159 = arith.constant 0 : index
      %swap3A_160 = vector.load %arg10[%swap3A_158, %swap3A_159] : memref<256x256xf32, #tpu.memory_space<vmem>>, vector<16x256xf32>
      tpu.vector_store %arg10[%swap3A_158, %swap3A_159], %dot_general3A_157 {strides = array<i32>} : memref<256x256xf32, #tpu.memory_space<vmem>>, vector<16x256xf32>,
      %get3A_161 = arith.constant 224 : index
      %get3A_162 = arith.constant 0 : index
      %get3A_163 = vector.load %arg3[%get3A_161, %get3A_162] : memref<512x256xf32, #tpu.memory_space<vmem>>, vector<32x256xf32>
      %dot_general3A_164 = arith.constant dense<0.000000e+00> : vector<16x256xf32>
      %dot_general3A_165 = tpu.matmul %get3A_104, %get3A_163, %dot_general3A_164 {dimension_numbers = #tpu.dot_dimension_numbers<[1], [0], [0], [1], [0, 0, 1, 1], [], []>, transpose_lhs_hint = false} : vector<16x32xf32>, vector<32x256xf32>, vector<16x256xf32> -> vector<16x256xf32>
      %swap3A_166 = arith.constant 112 : index
      %swap3A_167 = arith.constant 0 : index
      %swap3A_168 = vector.load %arg10[%swap3A_166, %swap3A_167] : memref<256x256xf32, #tpu.memory_space<vmem>>, vector<16x256xf32>
      tpu.vector_store %arg10[%swap3A_166, %swap3A_167], %dot_general3A_165 {strides = array<i32>} : memref<256x256xf32, #tpu.memory_space<vmem>>, vector<16x256xf32>,
      %get3A_169 = arith.constant 256 : index
      %get3A_170 = arith.constant 0 : index
      %get3A_171 = vector.load %arg3[%get3A_169, %get3A_170] : memref<512x256xf32, #tpu.memory_space<vmem>>, vector<32x256xf32>
      %dot_general3A_172 = arith.constant dense<0.000000e+00> : vector<16x256xf32>
      %dot_general3A_173 = tpu.matmul %get3A_104, %get3A_171, %dot_general3A_172 {dimension_numbers = #tpu.dot_dimension_numbers<[1], [0], [0], [1], [0, 0, 1, 1], [], []>, transpose_lhs_hint = false} : vector<16x32xf32>, vector<32x256xf32>, vector<16x256xf32> -> vector<16x256xf32>
      %swap3A_174 = arith.constant 128 : index
      %swap3A_175 = arith.constant 0 : index
      %swap3A_176 = vector.load %arg10[%swap3A_174, %swap3A_175] : memref<256x256xf32, #tpu.memory_space<vmem>>, vector<16x256xf32>
      tpu.vector_store %arg10[%swap3A_174, %swap3A_175], %dot_general3A_173 {strides = array<i32>} : memref<256x256xf32, #tpu.memory_space<vmem>>, vector<16x256xf32>,
      %get3A_177 = arith.constant 288 : index
      %get3A_178 = arith.constant 0 : index
      %get3A_179 = vector.load %arg3[%get3A_177, %get3A_178] : memref<512x256xf32, #tpu.memory_space<vmem>>, vector<32x256xf32>
      %dot_general3A_180 = arith.constant dense<0.000000e+00> : vector<16x256xf32>
      %dot_general3A_181 = tpu.matmul %get3A_104, %get3A_179, %dot_general3A_180 {dimension_numbers = #tpu.dot_dimension_numbers<[1], [0], [0], [1], [0, 0, 1, 1], [], []>, transpose_lhs_hint = false} : vector<16x32xf32>, vector<32x256xf32>, vector<16x256xf32> -> vector<16x256xf32>
      %swap3A_182 = arith.constant 144 : index
      %swap3A_183 = arith.constant 0 : index
      %swap3A_184 = vector.load %arg10[%swap3A_182, %swap3A_183] : memref<256x256xf32, #tpu.memory_space<vmem>>, vector<16x256xf32>
      tpu.vector_store %arg10[%swap3A_182, %swap3A_183], %dot_general3A_181 {strides = array<i32>} : memref<256x256xf32, #tpu.memory_space<vmem>>, vector<16x256xf32>,
      %get3A_185 = arith.constant 320 : index
      %get3A_186 = arith.constant 0 : index
      %get3A_187 = vector.load %arg3[%get3A_185, %get3A_186] : memref<512x256xf32, #tpu.memory_space<vmem>>, vector<32x256xf32>
      %dot_general3A_188 = arith.constant dense<0.000000e+00> : vector<16x256xf32>
      %dot_general3A_189 = tpu.matmul %get3A_104, %get3A_187, %dot_general3A_188 {dimension_numbers = #tpu.dot_dimension_numbers<[1], [0], [0], [1], [0, 0, 1, 1], [], []>, transpose_lhs_hint = false} : vector<16x32xf32>, vector<32x256xf32>, vector<16x256xf32> -> vector<16x256xf32>
      %swap3A_190 = arith.constant 160 : index
      %swap3A_191 = arith.constant 0 : index
      %swap3A_192 = vector.load %arg10[%swap3A_190, %swap3A_191] : memref<256x256xf32, #tpu.memory_space<vmem>>, vector<16x256xf32>
      tpu.vector_store %arg10[%swap3A_190, %swap3A_191], %dot_general3A_189 {strides = array<i32>} : memref<256x256xf32, #tpu.memory_space<vmem>>, vector<16x256xf32>,
      %get3A_193 = arith.constant 352 : index
      %get3A_194 = arith.constant 0 : index
      %get3A_195 = vector.load %arg3[%get3A_193, %get3A_194] : memref<512x256xf32, #tpu.memory_space<vmem>>, vector<32x256xf32>
      %dot_general3A_196 = arith.constant dense<0.000000e+00> : vector<16x256xf32>
      %dot_general3A_197 = tpu.matmul %get3A_104, %get3A_195, %dot_general3A_196 {dimension_numbers = #tpu.dot_dimension_numbers<[1], [0], [0], [1], [0, 0, 1, 1], [], []>, transpose_lhs_hint = false} : vector<16x32xf32>, vector<32x256xf32>, vector<16x256xf32> -> vector<16x256xf32>
      %swap3A_198 = arith.constant 176 : index
      %swap3A_199 = arith.constant 0 : index
      %swap3A_200 = vector.load %arg10[%swap3A_198, %swap3A_199] : memref<256x256xf32, #tpu.memory_space<vmem>>, vector<16x256xf32>
      tpu.vector_store %arg10[%swap3A_198, %swap3A_199], %dot_general3A_197 {strides = array<i32>} : memref<256x256xf32, #tpu.memory_space<vmem>>, vector<16x256xf32>,
      %get3A_201 = arith.constant 384 : index
      %get3A_202 = arith.constant 0 : index
      %get3A_203 = vector.load %arg3[%get3A_201, %get3A_202] : memref<512x256xf32, #tpu.memory_space<vmem>>, vector<32x256xf32>
      %dot_general3A_204 = arith.constant dense<0.000000e+00> : vector<16x256xf32>
      %dot_general3A_205 = tpu.matmul %get3A_104, %get3A_203, %dot_general3A_204 {dimension_numbers = #tpu.dot_dimension_numbers<[1], [0], [0], [1], [0, 0, 1, 1], [], []>, transpose_lhs_hint = false} : vector<16x32xf32>, vector<32x256xf32>, vector<16x256xf32> -> vector<16x256xf32>
      %swap3A_206 = arith.constant 192 : index
      %swap3A_207 = arith.constant 0 : index
      %swap3A_208 = vector.load %arg10[%swap3A_206, %swap3A_207] : memref<256x256xf32, #tpu.memory_space<vmem>>, vector<16x256xf32>
      tpu.vector_store %arg10[%swap3A_206, %swap3A_207], %dot_general3A_205 {strides = array<i32>} : memref<256x256xf32, #tpu.memory_space<vmem>>, vector<16x256xf32>,
      %get3A_209 = arith.constant 416 : index
      %get3A_210 = arith.constant 0 : index
      %get3A_211 = vector.load %arg3[%get3A_209, %get3A_210] : memref<512x256xf32, #tpu.memory_space<vmem>>, vector<32x256xf32>
      %dot_general3A_212 = arith.constant dense<0.000000e+00> : vector<16x256xf32>
      %dot_general3A_213 = tpu.matmul %get3A_104, %get3A_211, %dot_general3A_212 {dimension_numbers = #tpu.dot_dimension_numbers<[1], [0], [0], [1], [0, 0, 1, 1], [], []>, transpose_lhs_hint = false} : vector<16x32xf32>, vector<32x256xf32>, vector<16x256xf32> -> vector<16x256xf32>
      %swap3A_214 = arith.constant 208 : index
      %swap3A_215 = arith.constant 0 : index
      %swap3A_216 = vector.load %arg10[%swap3A_214, %swap3A_215] : memref<256x256xf32, #tpu.memory_space<vmem>>, vector<16x256xf32>
      tpu.vector_store %arg10[%swap3A_214, %swap3A_215], %dot_general3A_213 {strides = array<i32>} : memref<256x256xf32, #tpu.memory_space<vmem>>, vector<16x256xf32>,
      %get3A_217 = arith.constant 448 : index
      %get3A_218 = arith.constant 0 : index
      %get3A_219 = vector.load %arg3[%get3A_217, %get3A_218] : memref<512x256xf32, #tpu.memory_space<vmem>>, vector<32x256xf32>
      %dot_general3A_220 = arith.constant dense<0.000000e+00> : vector<16x256xf32>
      %dot_general3A_221 = tpu.matmul %get3A_104, %get3A_219, %dot_general3A_220 {dimension_numbers = #tpu.dot_dimension_numbers<[1], [0], [0], [1], [0, 0, 1, 1], [], []>, transpose_lhs_hint = false} : vector<16x32xf32>, vector<32x256xf32>, vector<16x256xf32> -> vector<16x256xf32>
      %swap3A_222 = arith.constant 224 : index
      %swap3A_223 = arith.constant 0 : index
      %swap3A_224 = vector.load %arg10[%swap3A_222, %swap3A_223] : memref<256x256xf32, #tpu.memory_space<vmem>>, vector<16x256xf32>
      tpu.vector_store %arg10[%swap3A_222, %swap3A_223], %dot_general3A_221 {strides = array<i32>} : memref<256x256xf32, #tpu.memory_space<vmem>>, vector<16x256xf32>,
      %get3A_225 = arith.constant 480 : index
      %get3A_226 = arith.constant 0 : index
      %get3A_227 = vector.load %arg3[%get3A_225, %get3A_226] : memref<512x256xf32, #tpu.memory_space<vmem>>, vector<32x256xf32>
      %dot_general3A_228 = arith.constant dense<0.000000e+00> : vector<16x256xf32>
      %dot_general3A_229 = tpu.matmul %get3A_104, %get3A_227, %dot_general3A_228 {dimension_numbers = #tpu.dot_dimension_numbers<[1], [0], [0], [1], [0, 0, 1, 1], [], []>, transpose_lhs_hint = false} : vector<16x32xf32>, vector<32x256xf32>, vector<16x256xf32> -> vector<16x256xf32>
      %swap3A_230 = arith.constant 240 : index
      %swap3A_231 = arith.constant 0 : index
      %swap3A_232 = vector.load %arg10[%swap3A_230, %swap3A_231] : memref<256x256xf32, #tpu.memory_space<vmem>>, vector<16x256xf32>
      tpu.vector_store %arg10[%swap3A_230, %swap3A_231], %dot_general3A_229 {strides = array<i32>} : memref<256x256xf32, #tpu.memory_space<vmem>>, vector<16x256xf32>,
    } else {
    }
    %get3A = arith.constant 0 : index
    %get3A_2 = arith.constant 0 : index
    %get3A_3 = vector.load %arg1[%get3A, %get3A_2] : memref<2048x16xi32, #tpu.memory_space<vmem>>, vector<2048x16xi32>
    %jit3A = arith.constant 0 : i32
    %jit3A_4 = arith.constant 15 : i32
    %max3A = vector.broadcast %jit3A : i32 to vector<2048x16xi32>
    %max3A_5 = arith.maxsi %max3A, %get3A_3 : vector<2048x16xi32>
    %min3A = vector.broadcast %jit3A_4 : i32 to vector<2048x16xi32>
    %min3A_6 = arith.minsi %min3A, %max3A_5 : vector<2048x16xi32>
    %iota3A = tpu.iota {dimensions = array<i32: 1>} : vector<2048x256xi32>
    %iota3A_7 = tpu.iota {dimensions = array<i32: 0>} : vector<16x256xi32>
    %iota3A_8 = tpu.iota {dimensions = array<i32: 1>} : vector<16x256xi32>
    %jit3A_9 = arith.constant 16 : i32
    %div3A = vector.broadcast %jit3A_9 : i32 to vector<16x256xi32>
    %div3A_10 = arith.divsi %iota3A_8, %div3A : vector<16x256xi32>
    %sign3A = arith.constant 0 : i32
    %sign3A_11 = vector.broadcast %sign3A : i32 to vector<16x256xi32>
    %sign3A_12 = arith.cmpi sgt, %iota3A_8, %sign3A_11 : vector<16x256xi32>
    %sign3A_13 = arith.extui %sign3A_12 : vector<16x256xi1> to vector<16x256xi32>
    %sign3A_14 = arith.constant 0 : i32
    %sign3A_15 = vector.broadcast %sign3A_14 : i32 to vector<16x256xi32>
    %sign3A_16 = arith.cmpi slt, %iota3A_8, %sign3A_15 : vector<16x256xi32>
    %sign3A_17 = arith.extui %sign3A_16 : vector<16x256xi1> to vector<16x256xi32>
    %sign3A_18 = arith.subi %sign3A_13, %sign3A_17 : vector<16x256xi32>
    %sign3A_19 = arith.constant 0 : i32
    %sign3A_20 = arith.cmpi sgt, %jit3A_9, %sign3A_19 : i32
    %sign3A_21 = arith.extui %sign3A_20 : i1 to i32
    %sign3A_22 = arith.constant 0 : i32
    %sign3A_23 = arith.cmpi slt, %jit3A_9, %sign3A_22 : i32
    %sign3A_24 = arith.extui %sign3A_23 : i1 to i32
    %sign3A_25 = arith.subi %sign3A_21, %sign3A_24 : i32
    %ne3A = vector.broadcast %sign3A_25 : i32 to vector<16x256xi32>
    %ne3A_26 = arith.cmpi ne, %sign3A_18, %ne3A : vector<16x256xi32>
    %rem3A = vector.broadcast %jit3A_9 : i32 to vector<16x256xi32>
    %rem3A_27 = arith.remsi %iota3A_8, %rem3A : vector<16x256xi32>
    %ne3A_28 = arith.constant 0 : i32
    %ne3A_29 = vector.broadcast %ne3A_28 : i32 to vector<16x256xi32>
    %ne3A_30 = arith.cmpi ne, %rem3A_27, %ne3A_29 : vector<16x256xi32>
    %and3A = arith.andi %ne3A_26, %ne3A_30 : vector<16x256xi1>
    %sub3A = arith.constant 1 : i32
    %sub3A_31 = vector.broadcast %sub3A : i32 to vector<16x256xi32>
    %sub3A_32 = arith.subi %div3A_10, %sub3A_31 : vector<16x256xi32>
    %select_n3A = arith.select %and3A, %sub3A_32, %div3A_10 : vector<16x256xi1>, vector<16x256xi32>
    %eq3A_33 = arith.cmpi eq, %iota3A_7, %select_n3A : vector<16x256xi32>
    %convert_element_type3A_34 = arith.sitofp %min3A_6 : vector<2048x16xi32> to vector<2048x16xf32>
    %convert_element_type3A_35 = arith.extui %eq3A_33 : vector<16x256xi1> to vector<16x256xi32>
    %convert_element_type3A_36 = arith.sitofp %convert_element_type3A_35 : vector<16x256xi32> to vector<16x256xf32>
    %dot_general3A = arith.constant dense<0.000000e+00> : vector<2048x256xf32>
    %dot_general3A_37 = tpu.matmul %convert_element_type3A_34, %convert_element_type3A_36, %dot_general3A {dimension_numbers = #tpu.dot_dimension_numbers<[1], [0], [0], [1], [0, 0, 1, 1], [], []>, transpose_lhs_hint = false} : vector<2048x16xf32>, vector<16x256xf32>, vector<2048x256xf32> -> vector<2048x256xf32>
    %jit3A_38 = arith.constant 16 : i32
    %eq3A_39 = arith.constant 0 : i32
    %eq3A_40 = arith.cmpi eq, %jit3A_38, %eq3A_39 : i32
    %jit3A_41 = arith.constant 1 : i32
    %select_n3A_42 = arith.select %eq3A_40, %jit3A_41, %jit3A_38 : i32
    %rem3A_43 = vector.broadcast %select_n3A_42 : i32 to vector<2048x256xi32>
    %rem3A_44 = arith.remsi %iota3A, %rem3A_43 : vector<2048x256xi32>
    %ne3A_45 = arith.constant 0 : i32
    %ne3A_46 = vector.broadcast %ne3A_45 : i32 to vector<2048x256xi32>
    %ne3A_47 = arith.cmpi ne, %rem3A_44, %ne3A_46 : vector<2048x256xi32>
    %lt3A = arith.constant 0 : i32
    %lt3A_48 = vector.broadcast %lt3A : i32 to vector<2048x256xi32>
    %lt3A_49 = arith.cmpi slt, %rem3A_44, %lt3A_48 : vector<2048x256xi32>
    %lt3A_50 = arith.constant 0 : i32
    %lt3A_51 = arith.cmpi slt, %select_n3A_42, %lt3A_50 : i32
    %ne3A_52 = vector.broadcast %lt3A_51 : i1 to vector<2048x256xi1>
    %ne3A_53 = vector.broadcast %ne3A_52 : vector<2048x256xi1> to vector<2048x256xi1>
    %ne3A_54 = arith.xori %lt3A_49, %ne3A_53 : vector<2048x256xi1>
    %and3A_55 = arith.andi %ne3A_54, %ne3A_47 : vector<2048x256xi1>
    %add3A = vector.broadcast %select_n3A_42 : i32 to vector<2048x256xi32>
    %add3A_56 = arith.addi %rem3A_44, %add3A : vector<2048x256xi32>
    %select_n3A_57 = arith.select %and3A_55, %add3A_56, %rem3A_44 : vector<2048x256xi1>, vector<2048x256xi32>
    %convert_element_type3A_58 = arith.sitofp %select_n3A_57 : vector<2048x256xi32> to vector<2048x256xf32>
    %eq3A_59 = arith.cmpf oeq, %dot_general3A_37, %convert_element_type3A_58 : vector<2048x256xf32>
    %jit3A_60 = arith.constant 1.000000e+00 : f32
    %jit3A_61 = arith.constant 0.000000e+00 : f32
    %broadcast_in_dim3A = vector.broadcast %jit3A_60 : f32 to vector<2048x256xf32>
    %broadcast_in_dim3A_62 = vector.broadcast %jit3A_61 : f32 to vector<2048x256xf32>
    %select_n3A_63 = arith.select %eq3A_59, %broadcast_in_dim3A, %broadcast_in_dim3A_62 : vector<2048x256xi1>, vector<2048x256xf32>
    %get3A_64 = arith.constant 0 : index
    %get3A_65 = arith.constant 0 : index
    %get3A_66 = vector.load %arg10[%get3A_64, %get3A_65] : memref<256x256xf32, #tpu.memory_space<vmem>>, vector<256x256xf32>
    %dot_general3A_67 = arith.constant dense<0.000000e+00> : vector<2048x256xf32>
    %dot_general3A_68 = tpu.matmul %select_n3A_63, %get3A_66, %dot_general3A_67 {dimension_numbers = #tpu.dot_dimension_numbers<[1], [0], [0], [1], [0, 0, 1, 1], [], []>, transpose_lhs_hint = false} : vector<2048x256xf32>, vector<256x256xf32>, vector<2048x256xf32> -> vector<2048x256xf32>
    %get3A_69 = arith.constant 0 : index
    %get3A_70 = arith.constant 0 : index
    %get3A_71 = vector.load %arg4[%get3A_69, %get3A_70] : memref<1x256xf32, #tpu.memory_space<vmem>>, vector<1x256xf32>
    %add3A_72 = vector.broadcast %get3A_71 : vector<1x256xf32> to vector<2048x256xf32>
    %add3A_73 = arith.addf %dot_general3A_68, %add3A_72 : vector<2048x256xf32>
    %max3A_74 = arith.constant 0.000000e+00 : f32
    %max3A_75 = vector.broadcast %max3A_74 : f32 to vector<2048x256xf32>
    %max3A_76 = arith.maximumf %add3A_73, %max3A_75 : vector<2048x256xf32>
    %get3A_77 = arith.constant 0 : index
    %get3A_78 = arith.constant 0 : index
    %get3A_79 = vector.load %arg5[%get3A_77, %get3A_78] : memref<256x256xf32, #tpu.memory_space<vmem>>, vector<256x256xf32>
    %dot_general3A_80 = arith.constant dense<0.000000e+00> : vector<2048x256xf32>
    %dot_general3A_81 = tpu.matmul %max3A_76, %get3A_79, %dot_general3A_80 {dimension_numbers = #tpu.dot_dimension_numbers<[1], [0], [0], [1], [0, 0, 1, 1], [], []>, transpose_lhs_hint = false} : vector<2048x256xf32>, vector<256x256xf32>, vector<2048x256xf32> -> vector<2048x256xf32>
    %get3A_82 = arith.constant 0 : index
    %get3A_83 = arith.constant 0 : index
    %get3A_84 = vector.load %arg6[%get3A_82, %get3A_83] : memref<1x256xf32, #tpu.memory_space<vmem>>, vector<1x256xf32>
    %add3A_85 = vector.broadcast %get3A_84 : vector<1x256xf32> to vector<2048x256xf32>
    %add3A_86 = arith.addf %dot_general3A_81, %add3A_85 : vector<2048x256xf32>
    %max3A_87 = arith.constant 0.000000e+00 : f32
    %max3A_88 = vector.broadcast %max3A_87 : f32 to vector<2048x256xf32>
    %max3A_89 = arith.maximumf %add3A_86, %max3A_88 : vector<2048x256xf32>
    %get3A_90 = arith.constant 0 : index
    %get3A_91 = arith.constant 0 : index
    %get3A_92 = vector.load %arg7[%get3A_90, %get3A_91] : memref<256x4xf32, #tpu.memory_space<vmem>>, vector<256x4xf32>
    %dot_general3A_93 = arith.constant dense<0.000000e+00> : vector<2048x4xf32>
    %dot_general3A_94 = tpu.matmul %max3A_89, %get3A_92, %dot_general3A_93 {dimension_numbers = #tpu.dot_dimension_numbers<[1], [0], [0], [1], [0, 0, 1, 1], [], []>, transpose_lhs_hint = false} : vector<2048x256xf32>, vector<256x4xf32>, vector<2048x4xf32> -> vector<2048x4xf32>
    %get3A_95 = arith.constant 0 : index
    %get3A_96 = arith.constant 0 : index
    %get3A_97 = vector.load %arg8[%get3A_95, %get3A_96] : memref<1x4xf32, #tpu.memory_space<vmem>>, vector<1x4xf32>
    %add3A_98 = vector.broadcast %get3A_97 : vector<1x4xf32> to vector<2048x4xf32>
    %add3A_99 = arith.addf %dot_general3A_94, %add3A_98 : vector<2048x4xf32>
    %swap3A = arith.constant 0 : index
    %swap3A_100 = arith.constant 0 : index
    %swap3A_101 = vector.load %arg9[%swap3A, %swap3A_100] : memref<2048x4xf32, #tpu.memory_space<vmem>>, vector<2048x4xf32>
    tpu.vector_store %arg9[%swap3A, %swap3A_100], %add3A_99 {strides = array<i32>} : memref<2048x4xf32, #tpu.memory_space<vmem>>, vector<2048x4xf32>,
    return
  }
  func.func @transform_0(%arg0: i32) -> (i32, i32) {
    %c0_i32 = arith.constant 0 : i32
    %c0_i32_0 = arith.constant 0 : i32
    return %arg0, %c0_i32 : i32, i32
  }
  func.func @transform_1(%arg0: i32) -> (i32, i32) {
    %c0_i32 = arith.constant 0 : i32
    %c0_i32_0 = arith.constant 0 : i32
    %c0_i32_1 = arith.constant 0 : i32
    return %c0_i32, %c0_i32_0 : i32, i32
  }
  func.func @transform_2(%arg0: i32) -> (i32, i32) {
    %c0_i32 = arith.constant 0 : i32
    %c0_i32_0 = arith.constant 0 : i32
    %c0_i32_1 = arith.constant 0 : i32
    return %c0_i32, %c0_i32_0 : i32, i32
  }
  func.func @transform_3(%arg0: i32) -> (i32, i32) {
    %c0_i32 = arith.constant 0 : i32
    %c0_i32_0 = arith.constant 0 : i32
    %c0_i32_1 = arith.constant 0 : i32
    return %c0_i32, %c0_i32_0 : i32, i32
  }
  func.func @transform_4(%arg0: i32) -> (i32, i32) {
    %c0_i32 = arith.constant 0 : i32
    %c0_i32_0 = arith.constant 0 : i32
    %c0_i32_1 = arith.constant 0 : i32
    return %c0_i32, %c0_i32_0 : i32, i32
  }
  func.func @transform_5(%arg0: i32) -> (i32, i32) {
    %c0_i32 = arith.constant 0 : i32
    %c0_i32_0 = arith.constant 0 : i32
    %c0_i32_1 = arith.constant 0 : i32
    return %c0_i32, %c0_i32_0 : i32, i32
  }
  func.func @transform_6(%arg0: i32) -> (i32, i32) {
    %c0_i32 = arith.constant 0 : i32
    %c0_i32_0 = arith.constant 0 : i32
    %c0_i32_1 = arith.constant 0 : i32
    return %c0_i32, %c0_i32_0 : i32, i32
  }
  func.func @transform_7(%arg0: i32) -> (i32, i32) {
    %c0_i32 = arith.constant 0 : i32
    %c0_i32_0 = arith.constant 0 : i32
    %c0_i32_1 = arith.constant 0 : i32
    return %c0_i32, %c0_i32_0 : i32, i32
  }
  func.func @transform_8(%arg0: i32) -> (i32, i32) {
    %c0_i32 = arith.constant 0 : i32
    %c0_i32_0 = arith.constant 0 : i32
    return %arg0, %c0_i32 : i32, i32
  }
}

</mosaic_0001>

<sc_bundles>
// kernel: _run.5.cloned.1.call-start
scs
__scs_entry_jumppad:
0x0: {  	(pc) =	sbr.rel $0x88, $3  }
0x1: {  	(tag) =	ssettag $0x0;
	lr =	simm.s32 $0x1  }
0x2: {  	[smem:$0x3F99] =	sst lr;
	_ =	strace $0xD0000000  }
0x3: {  	_ = 	snop  }
0x4: {  	_ = 	snop  }
0x5: {  	_ = 	snop  }
0x6: {  	_ = 	snop  }
0x7: {  	_ = 	snop  }
__scs_overlays_trampoline_lowered:
0x8: {  	[smem:$0x3FA8] =	sst s0  }
0x9: {  	[smem:$0x3FA9] =	sst s1  }
0xa: {  	[smem:$0x3FAA] =	sst s2  }
0xb: {  	[smem:$0x3FAB] =	sst s3  }
0xc: {  	[smem:$0x3FAC] =	sst s4  }
0xd: {  	[smem:$0x3FAD] =	sst s5  }
0xe: {  	[smem:$0x3FAE] =	sst s6  }
0xf: {  	[smem:$0x3FAF] =	sst s7  }
0x10: {  	[smem:$0x3FB0] =	sst s8  }
0x11: {  	[smem:$0x3FB1] =	sst s9;
	s0 =	simm.s32 @!p0 $0x0  }
0x12: {  	s1 =	sld [smem:$0x3F97];
	s0 =	simm.s32 @p0 $0x1  }
0x13: {  	[smem:$0x3FB2] =	sst s0;
	s0 =	simm.s32 @!p1 $0x0  }
0x14: {  	s2 =	sld [smem:$0x3F96];
	s0 =	simm.s32 @p1 $0x1  }
0x15: {  	[smem:$0x3FB3] =	sst s0;
	s0 =	simm.s32 @!p2 $0x0  }
0x16: {  	s3 =	sld [smem:$0x3FDB];
	s0 =	simm.s32 @p2 $0x1  }
0x17: {  	s4 =	simm.s32 $0x1BF5;
	[smem:$0x3FB5] =	sst s0  }
0x18: {  	s0 =	sld [smem:$0x3F98];
	_ =	swait.ge [sflag:s4], $0x0  }
0x19: {  	s7 =	sld [smem:$0x3F99]  }
0x1a: {  	s8 =	sadd.s32 $0xFFFFE003, lr  }
0x1b: {  	s9 =	sadd.s32 $0xFFFFFEF7, lr;
	s5 =	simm.s32 $0xFFFFFFFF;
	p2 =	slt.u32 s8, $0xFFFFF086  }
0x1c: {  	p1 =	slt.u32 s9, $0xF7A;
	s5 =	simm.s32 @!p2 $0x0  }
0x1d: {  	s5 =	simm.s32 @p1 $0x1;
	p0 =	seq.s32 s7, s2  }
0x1e: {  	s7 =	smul.u32 @!p0 $0xF7A, s2;
	p2 =	seq.s32 @!p0 s5, $0x0  }
0x1f: {  	s9 =	smul.u32 $0xF7A, s1;
	s8 =	simm.s32 @!p0 $0x1BF5;
	p2 =	por !p2, p0  }
0x20: {  	[sflag:s8] =	ssyncset.s32 @!p0 $0xFFFFF086;
	s6 =	sadd.s32 @!p0 s3, s7;
	s7 =	simm.s32 @!p0 $0x108  }
0x21: {  	s3 =	sadd.s32 s3, s9;
	s6 =	sadd.s32 @!p0 $0x88, s6;
	s7 =	simm.s32 @p2 $0x1082  }
0x22: {  	[simem:s7], [sflag:s8] =	dma.local @!p0 [hbm:s6], $0xF7A  }
0x23: {  	s9 =	sor.u32 $0xD0000000, s2;
	s6 =	simm.s32 $0x108;
	_ =	swait.ge @!p0 [sflag:s8], $0x0  }
0x24: {  	s3 =	sadd.s32 $0x88, s3;
	s6 =	simm.s32 @!p1 $0x1082;
	[sflag:s4] =	ssyncset.s32 $0xFFFFF086  }
0x25: {  	[simem:s6], [sflag:s4] =	dma.local [hbm:s3], $0xF7A  }
0x26: {  	[smem:$0x3F99] =	sst s1;
	(tag) =	ssettag s2;
	_ =	strace s9  }
0x27: {  	s1 =	sld [smem:$0x3FA9]  }
0x28: {  	s2 =	sld [smem:$0x3FAA]  }
0x29: {  	s4 =	sld [smem:$0x3FAC]  }
0x2a: {  	p0 =	seq.s32 s5, $0x0;
	s5 =	sld [smem:$0x3FAD]  }
0x2b: {  	s6 =	sld [smem:$0x3FAE]  }
0x2c: {  	s7 =	sld [smem:$0x3FAF]  }
0x2d: {  	s3 =	simm.s32 $0x108;
	s8 =	sld [smem:$0x3FB0]  }
0x2e: {  	s3 =	simm.s32 @!p0 $0x1082;
	s9 =	sld [smem:$0x3FB1]  }
0x2f: {  	lr =	sadd.s32 s0, s3;
	s0 =	sld [smem:$0x3FA8]  }
0x30: {  	s3 =	sld [smem:$0x3FAB]  }
0x31: {  	[smem:$0x3FB4] =	sst s10  }
0x32: {  	s10 =	sld [smem:$0x3FB2];
	_ =	sdelay $0x3  }
0x33: {  	p0 =	seq.s32 s10, $0x1;
	s10 =	sld [smem:$0x3FB4];
	_ =	sdelay $0x3  }
0x34: {  	[smem:$0x3FB4] =	sst s10  }
0x35: {  	s10 =	sld [smem:$0x3FB3];
	_ =	sdelay $0x3  }
0x36: {  	p1 =	seq.s32 s10, $0x1;
	s10 =	sld [smem:$0x3FB4];
	_ =	sdelay $0x3  }
0x37: {  	[smem:$0x3FB4] =	sst s10  }
0x38: {  	s10 =	sld [smem:$0x3FB5]  }
0x39: {  	_ = 	snop;
	(pc) =	sbr.ind lr, $3  }
0x3a: {  	_ = 	snop  }
0x3b: {  	_ = 	snop  }
0x3c: {  	p2 =	seq.s32 s10, $0x1;
	s10 =	sld [smem:$0x3FB4]  }
0x3d: {  	_ =	shalt  }
0x3e: {  	_ =	shalt  }
0x3f: {  	_ =	shalt  }
0x40: {  	_ =	shalt  }
0x41: {  	_ =	shalt  }
0x42: {  	_ =	shalt  }
0x43: {  	_ =	shalt  }
0x44: {  	_ =	shalt  }
0x45: {  	_ =	shalt  }
0x46: {  	_ =	shalt  }
0x47: {  	_ =	shalt  }
0x48: {  	_ =	shalt  }
0x49: {  	_ =	shalt  }
0x4a: {  	_ =	shalt  }
0x4b: {  	_ =	shalt  }
0x4c: {  	_ =	shalt  }
0x4d: {  	_ =	shalt  }
0x4e: {  	_ =	shalt  }
0x4f: {  	_ =	shalt  }
0x50: {  	_ =	shalt  }
0x51: {  	_ =	shalt  }
0x52: {  	_ =	shalt  }
0x53: {  	_ =	shalt  }
0x54: {  	_ =	shalt  }
0x55: {  	_ =	shalt  }
0x56: {  	_ =	shalt  }
0x57: {  	_ =	shalt  }
0x58: {  	_ =	shalt  }
0x59: {  	_ =	shalt  }
0x5a: {  	_ =	shalt  }
0x5b: {  	_ =	shalt  }
0x5c: {  	_ =	shalt  }
0x5d: {  	_ =	shalt  }
0x5e: {  	_ =	shalt  }
0x5f: {  	_ =	shalt  }
0x60: {  	_ =	shalt  }
0x61: {  	_ =	shalt  }
0x62: {  	_ =	shalt  }
0x63: {  	_ =	shalt  }
0x64: {  	_ =	shalt  }
0x65: {  	_ =	shalt  }
0x66: {  	_ =	shalt  }
0x67: {  	_ =	shalt  }
0x68: {  	_ =	shalt  }
0x69: {  	_ =	shalt  }
0x6a: {  	_ =	shalt  }
0x6b: {  	_ =	shalt  }
0x6c: {  	_ =	shalt  }
0x6d: {  	_ =	shalt  }
0x6e: {  	_ =	shalt  }
0x6f: {  	_ =	shalt  }
0x70: {  	_ =	shalt  }
0x71: {  	_ =	shalt  }
0x72: {  	_ =	shalt  }
0x73: {  	_ =	shalt  }
0x74: {  	_ =	shalt  }
0x75: {  	_ =	shalt  }
0x76: {  	_ =	shalt  }
0x77: {  	_ =	shalt  }
0x78: {  	_ =	shalt  }
0x79: {  	_ =	shalt  }
0x7a: {  	_ =	shalt  }
0x7b: {  	_ =	shalt  }
0x7c: {  	_ =	shalt  }
0x7d: {  	_ =	shalt  }
0x7e: {  	_ =	shalt  }
0x7f: {  	_ =	shalt  }
0x80: {  	_ =	shalt  }
0x81: {  	_ =	shalt  }
0x82: {  	_ =	shalt  }
0x83: {  	_ =	shalt  }
0x84: {  	_ =	shalt  }
0x85: {  	_ =	shalt  }
0x86: {  	_ =	shalt  }
0x87: {  	_ =	shalt  }
.Lfunc_end0:
.L_simem_size_0:
called_computation_lowered:
.L_overlay_start_0:
0x88: {  	s2 =	sld [smem:$0x3FD9]  }
0x89: {  	s3 =	sld [smem:$0x3FFE];
	_ =	sdelay $0x1  }
0x8a: {  	s1 =	srdreg.scid  }
0x8b: {  	s0 =	sand.u32 $0x1, s1  }
0x8c: {  	s16 =	sshll.u32 s0, $0xA;
	s2 =	sadd.s32 s3, s2  }
0x8d: {  	s2 =	sadd.s32 s2, s16  }
0x8e: {  	[smem:$0x3FC0] =	sst s2  }
0x8f: {  	_ = 	snop  }
0x90: {  	(tm) =	ssettm $0x1  }
0x91: {  	s17 =	sld [smem:$0x3FFB];
	_ =	sdelay $0x3  }
0x92: {  	_ =	strace s17  }
0x93: {  	s2 =	sld [smem:$0x3FFC];
	_ =	sdelay $0x3  }
0x94: {  	_ =	strace s2  }
0x95: {  	s2 =	sld [smem:$0x3FFD];
	_ =	sdelay $0x3  }
0x96: {  	_ =	strace s2  }
0x97: {  	_ =	strace $0x8FFFFFFF  }
0x98: {  	s18 =	sld [smem:$0x3FDB];
	_ =	sdelay $0x1  }
0x99: {  	s19 =	simm.s32 $_scs_section_size  }
0x9a: {  	s4 =	simm.s32 $_size__tile_overlayer_lowered;
	s5 =	simm.s32 $_tile_overlayer_lowered  }
0x9b: {  	s22 =	simm.s32 $0x1BFF;
	s21 =	sshll.u32 s5, $0x1;
	s2 =	sadd.s32 s19, s18  }
0x9c: {  	s6 =	simm.s32 $0x0;
	s20 =	sshll.u32 s4, $0x1;
	s4 =	sadd.s32 s21, s2  }
0x9d: {  	[timem:s6], [sflag:s22] =	dma.local [hbm:s4], s20  }
0x9e: {  	_ =	swait.ge [sflag:s22], s20  }
0x9f: {  	s3 =	ssub.s32 $0x0, s20;
	[sflag:s22] =	ssyncset.done $0x0  }
0xa0: {  	[sflag:s22] =	ssyncadd.s32 s3;
	_ =	sdelay $0x1  }
0xa1: {  	s23 =	simm.s32 $0x1B8B  }
0xa2: {  	_ =	swait.ge [sflag:s23], $0x1  }
0xa3: {  	[sflag:s23] =	ssyncset.done $0x0  }
0xa4: {  	s25 =	simm.s32 $0x1B8E;
	s24 =	sld [smem:$0x3FFE];
	[sflag:s23] =	ssyncadd.s32 $0xFFFFFFFF  }
0xa5: {  	s26 =	simm.s32 $execute0_lowered;
	[smem:$0x3FD2] =	sst s25  }
0xa6: {  	s4 =	sshll.u32 s26, $0x1;
	_ =	strace $0x80000046;
	[dreg:$0x1] =	wrdreg $0xFFFFFFFF  }
0xa7: {  	s28 =	simm.s32 $_size_execute0_lowered;
	s2 =	sadd.s32 s2, s4;
	[dreg:$0x0] =	wrdreg $0x0  }
0xa8: {  	s4 =	sshll.u32 s28, $0x1;
	[dreg:$0x2] =	wrdreg s2  }
0xa9: {  	[dreg:$0x3] =	wrdreg s4  }
0xaa: {  	[dreg:$0x4] =	wrdreg $0xC0  }
0xab: {  	_ =	task [dreg:s6], $0x5FFFF  }
0xac: {  	[dreg:$0x1] =	wrdreg $0xFFFFFFFF  }
0xad: {  	[dreg:$0x0] =	wrdreg $0x60  }
0xae: {  	[dreg:$0x2] =	wrdreg s24  }
0xaf: {  	[dreg:$0x3] =	wrdreg $0x9  }
0xb0: {  	_ =	task.clear_ibuf [dreg:s6], $0x4FFFF;
	_ =	strace $0x90000046  }
0xb1: {  	s29 =	simm.s32 $0x9;
	_ =	strace $0x80000048  }
0xb2: {  	_ =	swait.ge [sflag:s29], $0x1  }
0xb3: {  	[sflag:s29] =	ssyncadd.s32 $0xFFFFFFFF  }
0xb4: {  	_ =	strace $0x90000048  }
0xb5: {  	_ =	sfence  }
0xb6: {  	s30 =	sld [smem:$0x0];
	_ =	sdelay $0x2  }
0xb7: {  	s31 =	sshll.u32 s1, $0xD;
	s1 =	sshrl.u32 s1, $0x2  }
0xb8: {  	s3 =	sand.u32 $0x4000, s31;
	s1 =	sadd.s32 s1, s30  }
0xb9: {  	s0 =	sor.u32 s3, s0;
	s1 =	sshll.u32 s1, $0x11  }
0xba: {  	s0 =	sor.u32 s1, s0  }
0xbb: {  	s0 =	sadd.s32 $0x8F2B, s0  }
0xbc: {  	[sflag:s0] =	ssyncadd.remote.s32 $0x1  }
0xbd: {  	_ =	sfence.sel $0xFFFF  }
0xbe: {  	[dreg:$0x0] =	wrdreg $0xFFFFFFFF;
	(pc) =	sbr.abs _section_cstart, $3  }
0xbf: {  	[dreg:$0x1] =	wrdreg $0xFFFFFFFF  }
0xc0: {  	_ =	task.clear_ibuf [dreg:s6], $0x2FFFF;
	_ =	strace $0x9FFFFFFF  }
0xc1: {  	(tm) =	ssettm $0x7FFFFFFF  }
tec
execute0_lowered:
.L_overlay_start_1:
0x0: {  	(tag) =	ssettag $0x1  }
0x1: {  	v0 =	vimm.s32 $0x30201000  }
0x2: {  	v1 =	vimm.s32 $0x70605040;
	v0 =	vunpack.c.0.s8.s32 v0  }
0x3: {  	vm0 =	vcmask $0xF00;
	v1 =	vunpack.c.0.s8.s32 v1  }
0x4: {  	vm8 =	vcmask $0x1F10;
	v0 =	vnsel vm0, $0x470, v0  }
0x5: {  	s1 =	srdreg.scid;
	s0 =	stileid.u32;
	vm9 =	vcmask $0x2320;
	v0 =	vsel vm8, v1, v0  }
0x6: {  	s4 =	rddreg [dreg:$0x0];
	vm10 =	vcmask $0x2724;
	s3 =	sand.u32 $0x1, s1;
	s30 =	sshll.u32 s0, $0x1;
	v0 =	vsel vm9, $0x400, v0  }
0x7: {  	s2 =	simm.s32 $0x0;
	vm11 =	vcmask $0x2B28;
	s8 =	simm.s32 $0x0;
	s5 =	sor.u32 s3, s30;
	v0 =	vsel vm10, $0x410, v0  }
0x8: {  	vm12 =	vcmask $0x2F2C;
	s1 =	rddreg [dreg:$0x1];
	s3 =	ssub.s32 $0x2, s3;
	s6 =	smul.u32 $0xC00, s5;
	v0 =	vsel vm11, $0x420, v0  }
0x9: {  	vm13 =	vcmask $0x3330;
	[smem:$0x7FF] =	sst s2;
	s5 =	smul.u32 $0x1800, s5;
	s7 =	sshrl.u32 s3, $0x1;
	v0 =	vsel vm12, $0x430, v0  }
0xa: {  	vm14 =	vcmask $0x3734;
	_ =	strace $0x80000047;
	s31 =	ssub.s32 s3, s7;
	s7 =	simm.s32 $0x6000;
	v0 =	vsel vm13, $0x440, v0  }
0xb: {  	vm15 =	vcmask $0x3B38;
	s6 =	sadd.s32 s6, s4;
	s4 =	sadd.s32 s5, s4;
	s5 =	smax.u32 s31, $0x1;
	v1 =	vsel vm14, $0x450, v0  }
0xc: {  	v2 =	vimm.f32 $1.000000000e+00;
	s3 =	sadd.s32 $0x1800, s6;
	s4 =	sadd.s32 $0x19800, s4;
	s6 =	simm.s32 $0x1;
	v0 =	vimm.f32 $0.0e+00;
	v1 =	vsel vm15, $0x460, v1  }
.LBB2_1:
0xd: {  	[tilespmem:s2], [sflag:$0x1] =	stream.linear.gather [hbm4b:s3+s2], $0x6000, $0x38;
	[tilespmem:$0x12000] =	vst v63  }
0xe: {  	_ =	swait.ge [sflag:s6], $0x6000  }
0xf: {  	s9 =	sand.u32 $0xF800, s2;
	s10 =	sand.u32 $0x380, s2;
	[sflag:s6] =	ssyncset.done $0x0  }
0x10: {  	s9 =	sor.u32 s10, s9;
	[sflag:s6] =	ssyncadd.s32 $0xFFFFA000  }
0x11: {  	[tilespmem:s9+$0x6470] =	vst v0  }
0x12: {  	[tilespmem:s9+$0x6000] =	vst v0  }
0x13: {  	[tilespmem:s9+$0x6010] =	vst v0  }
0x14: {  	[tilespmem:s9+$0x6020] =	vst v0  }
0x15: {  	[tilespmem:s9+$0x6030] =	vst v0  }
0x16: {  	[tilespmem:s9+$0x6040] =	vst v0  }
0x17: {  	[tilespmem:s9+$0x6050] =	vst v0  }
0x18: {  	[tilespmem:s9+$0x6060] =	vst v0  }
0x19: {  	[tilespmem:s9+$0x6070] =	vst v0  }
0x1a: {  	[tilespmem:s9+$0x6400] =	vst v0  }
0x1b: {  	[tilespmem:s9+$0x6410] =	vst v0  }
0x1c: {  	[tilespmem:s9+$0x6420] =	vst v0  }
0x1d: {  	[tilespmem:s9+$0x6430] =	vst v0  }
0x1e: {  	s11 =	simm.s32 $0x100;
	s10 =	simm.s32 $0x80;
	[tilespmem:s9+$0x6440] =	vst v0  }
0x1f: {  	s12 =	sand.u32 $0xF800, s11;
	s11 =	simm.s32 $0x200;
	s13 =	sand.u32 $0x380, s10;
	[tilespmem:s9+$0x6450] =	vst v0  }
.LBB2_2:
0x20: {  	p0 =	sne.s32 s11, $0xBF00;
	[tilespmem:s9+$0x6460] =	vst v0;
	s9 =	sor.u32 s13, s12  }
0x21: {  	[tilespmem:s9+$0x6470] =	vst v0  }
0x22: {  	[tilespmem:s9+$0x6000] =	vst v0  }
0x23: {  	[tilespmem:s9+$0x6010] =	vst v0  }
0x24: {  	[tilespmem:s9+$0x6020] =	vst v0  }
0x25: {  	[tilespmem:s9+$0x6030] =	vst v0  }
0x26: {  	[tilespmem:s9+$0x6040] =	vst v0  }
0x27: {  	[tilespmem:s9+$0x6050] =	vst v0  }
0x28: {  	[tilespmem:s9+$0x6060] =	vst v0  }
0x29: {  	[tilespmem:s9+$0x6070] =	vst v0  }
0x2a: {  	[tilespmem:s9+$0x6400] =	vst v0  }
.Ltmp0:
0x2b: {  	[tilespmem:s9+$0x6410] =	vst v0;
	(pc) =	sbr.rel @p0 .LBB2_2-.Ltmp0, $4  }
0x2c: {  	[tilespmem:s9+$0x6420] =	vst v0  }
0x2d: {  	[tilespmem:s9+$0x6430] =	vst v0  }
0x2e: {  	s10 =	sadd.s32 $0x80, s10;
	[tilespmem:s9+$0x6440] =	vst v0  }
0x2f: {  	s12 =	sand.u32 $0xF800, s11;
	s11 =	sadd.s32 $0x100, s11;
	s13 =	sand.u32 $0x380, s10;
	[tilespmem:s9+$0x6450] =	vst v0  }
0x30: {  	s10 =	sor.u32 s13, s12;
	[tilespmem:s9+$0x6460] =	vst v0  }
0x31: {  	[tilespmem:s10+$0x6470] =	vst v0  }
0x32: {  	[tilespmem:s10+$0x6000] =	vst v0  }
0x33: {  	[tilespmem:s10+$0x6010] =	vst v0  }
0x34: {  	[tilespmem:s10+$0x6020] =	vst v0  }
0x35: {  	[tilespmem:s10+$0x6030] =	vst v0  }
0x36: {  	[tilespmem:s10+$0x6040] =	vst v0  }
0x37: {  	[tilespmem:s10+$0x6050] =	vst v0  }
0x38: {  	[tilespmem:s10+$0x6060] =	vst v0  }
0x39: {  	[tilespmem:s10+$0x6070] =	vst v0  }
0x3a: {  	[tilespmem:s10+$0x6400] =	vst v0  }
0x3b: {  	[tilespmem:s10+$0x6410] =	vst v0  }
0x3c: {  	[tilespmem:s10+$0x6420] =	vst v0  }
0x3d: {  	[tilespmem:s10+$0x6430] =	vst v0  }
0x3e: {  	[tilespmem:s10+$0x6440] =	vst v0  }
0x3f: {  	[tilespmem:s10+$0x6450] =	vst v0  }
0x40: {  	s9 =	simm.s32 $0x0;
	[tilespmem:s10+$0x6460] =	vst v0  }
0x41: {  	s11 =	simm.s32 $0x0;
	s10 =	simm.s32 $0x1;
	v3 =	vld [tilespmem:s9+$0x0]  }
.LBB2_4:
0x42: {  	p0 =	sne.s32 s10, $0xBF;
	_ =	sdelay $0x2  }
0x43: {  	v4 =	vmov s9;
	s9 =	smov.u32 s10  }
0x44: {  	v5 =	vshll.u32 v4, $0x8;
	v4 =	vshll.u32 v4, $0x7;
	vm0 =	vgt.s32 v3, $0x0  }
0x45: {  	v5 =	vand.u32 $0xF800, v5;
	v4 =	vand.u32 $0x380, v4;
	v3 =	vnsel vm0, $0x0, v3  }
0x46: {  	v4 =	vor.u32 v4, v5;
	v3 =	vmin.u32 v3, $0xF  }
0x47: {  	v3 =	vor.u32 v3, v4  }
0x48: {  	v3 =	vor.u32 v1, v3;
	_ =	sdelay $0x1  }
.Ltmp1:
0x49: {  	(pc) =	sbr.rel @p0 .LBB2_4-.Ltmp1, $3  }
0x4a: {  	_ =	sdelay $0x1  }
0x4b: {  	s11 =	sadd.s32 $0x80, s11;
	[tilespmem:v3+s7+$0x0] =	vst.idx.msk $0xffff, v2  }
0x4c: {  	s10 =	sadd.s32 $0x1, s10;
	v3 =	vld [tilespmem:s11+$0x0]  }
0x4d: {  	_ =	sdelay $0x2  }
0x4e: {  	v4 =	vmov s9  }
0x4f: {  	v5 =	vshll.u32 v4, $0x8;
	v4 =	vshll.u32 v4, $0x7;
	vm0 =	vgt.s32 v3, $0x0  }
0x50: {  	v5 =	vand.u32 $0xF800, v5;
	v4 =	vand.u32 $0x380, v4;
	v3 =	vnsel vm0, $0x0, v3  }
0x51: {  	v4 =	vor.u32 v4, v5;
	v3 =	vmin.u32 v3, $0xF  }
0x52: {  	v3 =	vor.u32 v3, v4  }
0x53: {  	v3 =	vor.u32 v1, v3;
	_ =	sdelay $0x2  }
0x54: {  	s8 =	sadd.s32 $0x1, s8  }
0x55: {  	p0 =	sne.s32 s8, s5  }
.Ltmp2:
0x56: {  	[tilespmem:v3+s7+$0x0] =	vst.idx.msk $0xffff, v2;
	(pc) =	sbr.rel @p0 .LBB2_1-.Ltmp2, $4  }
0x57: {  	[hbm4b:s4+s2] =	stream.linear.scatter [tilespmem:s7], [sflag:$0x1], $0xC000, $0x38;
	[tilespmem:$0x12000] =	vst v63  }
0x58: {  	_ =	swait.ge [sflag:s6], $0xC000  }
0x59: {  	[sflag:s6] =	ssyncset.done $0x0  }
0x5a: {  	[sflag:s6] =	ssyncadd.s32 $0xFFFF4000  }
0x5b: {  	_ =	sfence.sel $0x180000  }
0x5c: {  	[bflag:$0x0] =	sbarrier.arrive $0xFFFF  }
0x5d: {  	p0 =	sne.s32 s0, $0x0;
	_ =	strace $0x90000047  }
0x5e: {  	s0 =	sadd.s32 @!p0 $0x100000, s1;
	[bflag:$0x2] =	sbarrier.arrive $0xFFFF  }
0x5f: {  	[sflag:s0] =	ssyncadd.tile.s32 @!p0 $0x1;
	_ =	shalt  }
.Lfunc_end2:
_tile_overlayer_lowered:
.L_overlay_start_2:
0x60: {  	(tag) =	ssettag $0x2  }
0x61: {  	s0 =	rddreg [dreg:$0x0];
	s2 =	stileid.u32  }
0x62: {  	s1 =	rddreg [dreg:$0x1];
	p0 =	sne.s32 s2, $0x0  }
0x63: {  	s3 =	rddreg [dreg:$0x2];
	[bflag:$0x3] =	sbarrier.arrive $0xFFFF;
	s2 =	simm.s32 @!p0 $0x1C01  }
0x64: {  	[timem:s3], [sflag:s2] =	dma.local @!p0 [hbm:s0], s1  }
0x65: {  	s0 =	simm.s32 @!p0 $0x1  }
0x66: {  	_ =	swait.ge @!p0 [sflag:s0], s1  }
0x67: {  	s1 =	ssub.s32 @!p0 $0x0, s1;
	[sflag:s0] =	ssyncset.done @!p0 $0x0  }
0x68: {  	[sflag:s0] =	ssyncadd.s32 @!p0 s1  }
0x69: {  	[bflag:$0x3] =	sbarrier.arrive $0xFFFF  }
0x6a: {  	_ =	shalt  }

</sc_bundles>
